<compile_context>
chip_gen: v7x
topology: tpu7x:2x2x1
jax: 0.10.2.dev20260603
libtpu: 0.0.44.dev20260713+nightly
codegen_flags: <defaults>
</compile_context>

<pallas_src>
import functools

import jax
import jax.numpy as jnp
from jax import lax
from jax.experimental import pallas as pl
from jax.experimental.pallas import tpu as pltpu
from jax.experimental.pallas import tpu_sc as plsc

_PAD = 32


def _tc_body(n_cls, nb, nj, x_ref, t_ref, cnt_out, fn_out, ces_out,
             cnt_ref, fn_ref, ces_ref):
    b = pl.program_id(0)
    j = pl.program_id(1)

    @pl.when(jnp.logical_and(b == 0, j == 0))
    def _init():
        cnt_ref[...] = jnp.zeros_like(cnt_ref)
        fn_ref[...] = jnp.zeros_like(fn_ref)
        ces_ref[...] = jnp.zeros_like(ces_ref)

    x = x_ref[0]
    t = t_ref[...]

    m = jnp.max(x, axis=0, keepdims=True)
    e = jnp.exp(x - m)
    s = jnp.sum(e, axis=0, keepdims=True)
    lse = m + jnp.log(s)

    cls = jax.lax.broadcasted_iota(jnp.int32, x.shape, 0)
    ohf = (cls == t).astype(jnp.float32)
    xt = jnp.sum(x * ohf, axis=0, keepdims=True)
    ce = lse - xt

    wrongf = (xt < m).astype(jnp.float32)

    cnt_ref[0:n_cls] += jnp.sum(ohf, axis=(1, 2), keepdims=True)
    fn_ref[0:n_cls] += jnp.sum(ohf * wrongf, axis=(1, 2), keepdims=True)
    ces_ref[0:n_cls] += jnp.sum(ohf * ce, axis=(1, 2), keepdims=True)

    @pl.when(jnp.logical_and(b == nb - 1, j == nj - 1))
    def _fin():
        cnt_out[...] = jnp.broadcast_to(cnt_ref[...], cnt_out.shape)
        fn_out[...] = jnp.broadcast_to(fn_ref[...], fn_out.shape)
        ces_out[...] = jnp.broadcast_to(ces_ref[...], ces_out.shape)


def _sc_epilogue_body(n_cls, n_total, cnt_hbm, fn_hbm, ces_hbm, out_hbm,
                      cnt_v, fn_v, ces_v, res_v):
    cid = lax.axis_index("c")
    sid = lax.axis_index("s")
    wid = sid * 2 + cid

    @pl.when(wid == 0)
    def _():
        pltpu.sync_copy(cnt_hbm, cnt_v)
        pltpu.sync_copy(fn_hbm, fn_v)
        pltpu.sync_copy(ces_hbm, ces_v)
        one = jnp.ones((16,), jnp.float32)
        loss = jnp.zeros((16,), jnp.float32)
        for c in range(n_cls):
            cnt = cnt_v[c, 0, 0:16]
            fn = fn_v[c, 0, 0:16]
            ces = ces_v[c, 0, 0:16]
            gt_c = jnp.where(cnt > 0.0, cnt, one)
            fn_c = jnp.where(fn > 0.0, fn, one)
            loss = loss + (fn_c / gt_c) * ces
        res_v[...] = loss / jnp.float32(n_total)
        pltpu.sync_copy(res_v, out_hbm)


def kernel(input, target):
    nb, n_cls, h, w = input.shape
    rows = 64
    nj = h // rows
    n_total = nb * h * w

    body = functools.partial(_tc_body, n_cls, nb, nj)
    part_shape = jax.ShapeDtypeStruct((_PAD, 1, 128), jnp.float32)

    cnt_p, fn_p, ces_p = pl.pallas_call(
        body,
        grid=(nb, nj),
        in_specs=[
            pl.BlockSpec((1, n_cls, rows, w), lambda b, j: (b, 0, j, 0)),
            pl.BlockSpec((1, rows, w), lambda b, j: (b, j, 0)),
        ],
        out_specs=[
            pl.BlockSpec((_PAD, 1, 128), lambda b, j: (0, 0, 0)),
            pl.BlockSpec((_PAD, 1, 128), lambda b, j: (0, 0, 0)),
            pl.BlockSpec((_PAD, 1, 128), lambda b, j: (0, 0, 0)),
        ],
        out_shape=[part_shape, part_shape, part_shape],
        scratch_shapes=[
            pltpu.VMEM((_PAD, 1, 1), jnp.float32),
            pltpu.VMEM((_PAD, 1, 1), jnp.float32),
            pltpu.VMEM((_PAD, 1, 1), jnp.float32),
        ],
        compiler_params=pltpu.CompilerParams(
            dimension_semantics=("arbitrary", "arbitrary"),
        ),
    )(input, target)

    sc_fn = pl.kernel(
        functools.partial(_sc_epilogue_body, n_cls, n_total),
        out_type=jax.ShapeDtypeStruct((16,), jnp.float32),
        mesh=plsc.VectorSubcoreMesh(core_axis_name="c", subcore_axis_name="s"),
        scratch_types=[
            pltpu.VMEM((_PAD, 1, 128), jnp.float32),
            pltpu.VMEM((_PAD, 1, 128), jnp.float32),
            pltpu.VMEM((_PAD, 1, 128), jnp.float32),
            pltpu.VMEM((16,), jnp.float32),
        ],
    )
    out = sc_fn(cnt_p, fn_p, ces_p)
    return out[0]

# --- scband reference (transcript-rebuilt; emitter-appended) ---
"""Pipeline reference for scband-recall-cross-entropy-8718783611058 (READ-ONLY COPY).

The authoritative reference and input builder live on the scoring server;
editing this copy changes nothing except your own understanding.
"""

import jax, jax.numpy as jnp
import numpy as np

IGNORE_INDEX = 255
N_CLASSES = 19

def setup_inputs(seed: int = 0) -> dict:
    key = jax.random.key(seed)
    k1, k2 = jax.random.split(key)
    inp = jax.random.normal(k1, (8, N_CLASSES, 512, 512), dtype=jnp.float32)
    target = jax.random.randint(k2, (8, 512, 512), 0, N_CLASSES, dtype=jnp.int32)
    return {"input": inp, "target": target}

def reference(input, target):
    n_classes = input.shape[1]
    # pred = input.argmax(1)
    pred = jnp.argmax(input, axis=1)
    # idex = (pred != target).view(-1)
    idex = (pred != target).reshape(-1)
    tflat = target.reshape(-1)
    # torch.unique(target, return_counts=True) scattered into a ones() counter.
    # Equivalent: per-class counts via bincount; classes absent keep counter=1.
    # (ignore_index remap branch is a no-op here since target never contains 255.)
    gt_count = jnp.bincount(tflat, length=n_classes).astype(jnp.float32)
    gt_counter = jnp.where(gt_count > 0, gt_count, jnp.float32(1.0))
    # false negatives: target values where prediction was wrong
    fn_count = jnp.bincount(tflat, weights=idex.astype(jnp.float32), length=n_classes)
    fn_counter = jnp.where(fn_count > 0, fn_count, jnp.float32(1.0))
    weight = fn_counter / gt_counter
    # F.cross_entropy(input, target, reduction='none', ignore_index=255)
    logp = jax.nn.log_softmax(input, axis=1)
    ce = -jnp.take_along_axis(logp, target[:, None, :, :].astype(jnp.int32), axis=1)[:, 0]
    valid = (target != IGNORE_INDEX)
    ce = jnp.where(valid, ce, jnp.float32(0.0))
    loss = weight[target] * ce
    return jnp.mean(loss)

if __name__ == "__main__":
    import jax
    _d = setup_inputs()
    print(jax.jit(kernel)(*tuple(_d.values())))

</pallas_src>

<mosaic_0001>
#map = affine_map<(d0, d1) -> (0, 0, 0)>
#map1 = affine_map<(d0, d1) -> (0)>
module attributes {stable_mosaic.version = 14 : i64} {
  func.func @_sc_epilogue_body(%arg0: i32, %arg1: i32, %arg2: memref<32x1x128xf32, #tpu.memory_space<hbm>>, %arg3: memref<32x1x128xf32, #tpu.memory_space<hbm>>, %arg4: memref<32x1x128xf32, #tpu.memory_space<hbm>>, %arg5: memref<16xf32, #tpu.memory_space<hbm>>, %arg6: memref<32x1x128xf32, #tpu.memory_space<vmem>>, %arg7: memref<32x1x128xf32, #tpu.memory_space<vmem>>, %arg8: memref<32x1x128xf32, #tpu.memory_space<vmem>>, %arg9: memref<16xf32, #tpu.memory_space<vmem>>) attributes {dimension_semantics = [#tpu.dimension_semantics<core_parallel>, #tpu.dimension_semantics<subcore_parallel>], iteration_bounds = array<i64: 2, 16>, scalar_prefetch = 0 : i64, scratch_operands = 4 : i64, tpu.core_type = #tpu.core_type<sc_vector_subcore>, window_params = [{transform_indices = #map}, {transform_indices = #map}, {transform_indices = #map}, {transform_indices = #map1}]} {
    %mul3A = arith.constant 2 : i32
    %mul3A_0 = arith.muli %arg1, %mul3A : i32
    %add3A = arith.addi %mul3A_0, %arg0 : i32
    %eq3A = arith.constant 0 : i32
    %eq3A_1 = arith.cmpi eq, %add3A, %eq3A : i32
    %convert_element_type3A = arith.extui %eq3A_1 : i1 to i32
    %cond3A = arith.constant 0 : i32
    %cond3A_2 = arith.cmpi ne, %convert_element_type3A, %cond3A : i32
    scf.if %cond3A_2 {
      "tpu.region"() ({
        %run_scoped3A = tpu.sem_alloc : memref<!tpu.dma_semaphore, #tpu.memory_space<semaphore_mem>>
        tpu.enqueue_dma source(%arg2 : memref<32x1x128xf32, #tpu.memory_space<hbm>>) target(%arg6 : memref<32x1x128xf32, #tpu.memory_space<vmem>>) target_semaphore(%run_scoped3A : memref<!tpu.dma_semaphore, #tpu.memory_space<semaphore_mem>>)
        tpu.wait_dma2 semaphore(%run_scoped3A : memref<!tpu.dma_semaphore, #tpu.memory_space<semaphore_mem>>) src(%arg2 : memref<32x1x128xf32, #tpu.memory_space<hbm>>) dst(%arg6 : memref<32x1x128xf32, #tpu.memory_space<vmem>>)
        tpu.yield
      }) : () -> ()
      "tpu.region"() ({
        %run_scoped3A = tpu.sem_alloc : memref<!tpu.dma_semaphore, #tpu.memory_space<semaphore_mem>>
        tpu.enqueue_dma source(%arg3 : memref<32x1x128xf32, #tpu.memory_space<hbm>>) target(%arg7 : memref<32x1x128xf32, #tpu.memory_space<vmem>>) target_semaphore(%run_scoped3A : memref<!tpu.dma_semaphore, #tpu.memory_space<semaphore_mem>>)
        tpu.wait_dma2 semaphore(%run_scoped3A : memref<!tpu.dma_semaphore, #tpu.memory_space<semaphore_mem>>) src(%arg3 : memref<32x1x128xf32, #tpu.memory_space<hbm>>) dst(%arg7 : memref<32x1x128xf32, #tpu.memory_space<vmem>>)
        tpu.yield
      }) : () -> ()
      "tpu.region"() ({
        %run_scoped3A = tpu.sem_alloc : memref<!tpu.dma_semaphore, #tpu.memory_space<semaphore_mem>>
        tpu.enqueue_dma source(%arg4 : memref<32x1x128xf32, #tpu.memory_space<hbm>>) target(%arg8 : memref<32x1x128xf32, #tpu.memory_space<vmem>>) target_semaphore(%run_scoped3A : memref<!tpu.dma_semaphore, #tpu.memory_space<semaphore_mem>>)
        tpu.wait_dma2 semaphore(%run_scoped3A : memref<!tpu.dma_semaphore, #tpu.memory_space<semaphore_mem>>) src(%arg4 : memref<32x1x128xf32, #tpu.memory_space<hbm>>) dst(%arg8 : memref<32x1x128xf32, #tpu.memory_space<vmem>>)
        tpu.yield
      }) : () -> ()
      %broadcast_in_dim3A = arith.constant 1.000000e+00 : f32
      %broadcast_in_dim3A_3 = vector.broadcast %broadcast_in_dim3A : f32 to vector<16xf32>
      %broadcast_in_dim3A_4 = arith.constant 0.000000e+00 : f32
      %broadcast_in_dim3A_5 = vector.broadcast %broadcast_in_dim3A_4 : f32 to vector<16xf32>
      %get3A = arith.constant 0 : i32
      %get3A_6 = arith.constant 0 : i32
      %get3A_7 = arith.index_cast %get3A : i32 to index
      %get3A_8 = arith.index_cast %get3A_6 : i32 to index
      %get3A_9 = arith.constant 0 : index
      %get3A_10 = tpu.vector_load %arg6[%get3A_7, %get3A_8, %get3A_9] {strides = array<i32>} : memref<32x1x128xf32, #tpu.memory_space<vmem>>, vector<1x1x16xf32>,
      %get3A_11 = vector.shape_cast %get3A_10 : vector<1x1x16xf32> to vector<16xf32>
      %get3A_12 = arith.constant 0 : i32
      %get3A_13 = arith.constant 0 : i32
      %get3A_14 = arith.index_cast %get3A_12 : i32 to index
      %get3A_15 = arith.index_cast %get3A_13 : i32 to index
      %get3A_16 = arith.constant 0 : index
      %get3A_17 = tpu.vector_load %arg7[%get3A_14, %get3A_15, %get3A_16] {strides = array<i32>} : memref<32x1x128xf32, #tpu.memory_space<vmem>>, vector<1x1x16xf32>,
      %get3A_18 = vector.shape_cast %get3A_17 : vector<1x1x16xf32> to vector<16xf32>
      %get3A_19 = arith.constant 0 : i32
      %get3A_20 = arith.constant 0 : i32
      %get3A_21 = arith.index_cast %get3A_19 : i32 to index
      %get3A_22 = arith.index_cast %get3A_20 : i32 to index
      %get3A_23 = arith.constant 0 : index
      %get3A_24 = tpu.vector_load %arg8[%get3A_21, %get3A_22, %get3A_23] {strides = array<i32>} : memref<32x1x128xf32, #tpu.memory_space<vmem>>, vector<1x1x16xf32>,
      %get3A_25 = vector.shape_cast %get3A_24 : vector<1x1x16xf32> to vector<16xf32>
      %gt3A = arith.constant 0.000000e+00 : f32
      %gt3A_26 = vector.broadcast %gt3A : f32 to vector<16xf32>
      %gt3A_27 = arith.cmpf ogt, %get3A_11, %gt3A_26 : vector<16xf32>
      %select_n3A = arith.select %gt3A_27, %get3A_11, %broadcast_in_dim3A_3 : vector<16xi1>, vector<16xf32>
      %gt3A_28 = arith.constant 0.000000e+00 : f32
      %gt3A_29 = vector.broadcast %gt3A_28 : f32 to vector<16xf32>
      %gt3A_30 = arith.cmpf ogt, %get3A_18, %gt3A_29 : vector<16xf32>
      %select_n3A_31 = arith.select %gt3A_30, %get3A_18, %broadcast_in_dim3A_3 : vector<16xi1>, vector<16xf32>
      %div3A = arith.divf %select_n3A_31, %select_n3A : vector<16xf32>
      %mul3A_32 = arith.mulf %div3A, %get3A_25 : vector<16xf32>
      %add3A_33 = arith.addf %broadcast_in_dim3A_5, %mul3A_32 : vector<16xf32>
      %get3A_34 = arith.constant 1 : i32
      %get3A_35 = arith.constant 0 : i32
      %get3A_36 = arith.index_cast %get3A_34 : i32 to index
      %get3A_37 = arith.index_cast %get3A_35 : i32 to index
      %get3A_38 = arith.constant 0 : index
      %get3A_39 = tpu.vector_load %arg6[%get3A_36, %get3A_37, %get3A_38] {strides = array<i32>} : memref<32x1x128xf32, #tpu.memory_space<vmem>>, vector<1x1x16xf32>,
      %get3A_40 = vector.shape_cast %get3A_39 : vector<1x1x16xf32> to vector<16xf32>
      %get3A_41 = arith.constant 1 : i32
      %get3A_42 = arith.constant 0 : i32
      %get3A_43 = arith.index_cast %get3A_41 : i32 to index
      %get3A_44 = arith.index_cast %get3A_42 : i32 to index
      %get3A_45 = arith.constant 0 : index
      %get3A_46 = tpu.vector_load %arg7[%get3A_43, %get3A_44, %get3A_45] {strides = array<i32>} : memref<32x1x128xf32, #tpu.memory_space<vmem>>, vector<1x1x16xf32>,
      %get3A_47 = vector.shape_cast %get3A_46 : vector<1x1x16xf32> to vector<16xf32>
      %get3A_48 = arith.constant 1 : i32
      %get3A_49 = arith.constant 0 : i32
      %get3A_50 = arith.index_cast %get3A_48 : i32 to index
      %get3A_51 = arith.index_cast %get3A_49 : i32 to index
      %get3A_52 = arith.constant 0 : index
      %get3A_53 = tpu.vector_load %arg8[%get3A_50, %get3A_51, %get3A_52] {strides = array<i32>} : memref<32x1x128xf32, #tpu.memory_space<vmem>>, vector<1x1x16xf32>,
      %get3A_54 = vector.shape_cast %get3A_53 : vector<1x1x16xf32> to vector<16xf32>
      %gt3A_55 = arith.constant 0.000000e+00 : f32
      %gt3A_56 = vector.broadcast %gt3A_55 : f32 to vector<16xf32>
      %gt3A_57 = arith.cmpf ogt, %get3A_40, %gt3A_56 : vector<16xf32>
      %select_n3A_58 = arith.select %gt3A_57, %get3A_40, %broadcast_in_dim3A_3 : vector<16xi1>, vector<16xf32>
      %gt3A_59 = arith.constant 0.000000e+00 : f32
      %gt3A_60 = vector.broadcast %gt3A_59 : f32 to vector<16xf32>
      %gt3A_61 = arith.cmpf ogt, %get3A_47, %gt3A_60 : vector<16xf32>
      %select_n3A_62 = arith.select %gt3A_61, %get3A_47, %broadcast_in_dim3A_3 : vector<16xi1>, vector<16xf32>
      %div3A_63 = arith.divf %select_n3A_62, %select_n3A_58 : vector<16xf32>
      %mul3A_64 = arith.mulf %div3A_63, %get3A_54 : vector<16xf32>
      %add3A_65 = arith.addf %add3A_33, %mul3A_64 : vector<16xf32>
      %get3A_66 = arith.constant 2 : i32
      %get3A_67 = arith.constant 0 : i32
      %get3A_68 = arith.index_cast %get3A_66 : i32 to index
      %get3A_69 = arith.index_cast %get3A_67 : i32 to index
      %get3A_70 = arith.constant 0 : index
      %get3A_71 = tpu.vector_load %arg6[%get3A_68, %get3A_69, %get3A_70] {strides = array<i32>} : memref<32x1x128xf32, #tpu.memory_space<vmem>>, vector<1x1x16xf32>,
      %get3A_72 = vector.shape_cast %get3A_71 : vector<1x1x16xf32> to vector<16xf32>
      %get3A_73 = arith.constant 2 : i32
      %get3A_74 = arith.constant 0 : i32
      %get3A_75 = arith.index_cast %get3A_73 : i32 to index
      %get3A_76 = arith.index_cast %get3A_74 : i32 to index
      %get3A_77 = arith.constant 0 : index
      %get3A_78 = tpu.vector_load %arg7[%get3A_75, %get3A_76, %get3A_77] {strides = array<i32>} : memref<32x1x128xf32, #tpu.memory_space<vmem>>, vector<1x1x16xf32>,
      %get3A_79 = vector.shape_cast %get3A_78 : vector<1x1x16xf32> to vector<16xf32>
      %get3A_80 = arith.constant 2 : i32
      %get3A_81 = arith.constant 0 : i32
      %get3A_82 = arith.index_cast %get3A_80 : i32 to index
      %get3A_83 = arith.index_cast %get3A_81 : i32 to index
      %get3A_84 = arith.constant 0 : index
      %get3A_85 = tpu.vector_load %arg8[%get3A_82, %get3A_83, %get3A_84] {strides = array<i32>} : memref<32x1x128xf32, #tpu.memory_space<vmem>>, vector<1x1x16xf32>,
      %get3A_86 = vector.shape_cast %get3A_85 : vector<1x1x16xf32> to vector<16xf32>
      %gt3A_87 = arith.constant 0.000000e+00 : f32
      %gt3A_88 = vector.broadcast %gt3A_87 : f32 to vector<16xf32>
      %gt3A_89 = arith.cmpf ogt, %get3A_72, %gt3A_88 : vector<16xf32>
      %select_n3A_90 = arith.select %gt3A_89, %get3A_72, %broadcast_in_dim3A_3 : vector<16xi1>, vector<16xf32>
      %gt3A_91 = arith.constant 0.000000e+00 : f32
      %gt3A_92 = vector.broadcast %gt3A_91 : f32 to vector<16xf32>
      %gt3A_93 = arith.cmpf ogt, %get3A_79, %gt3A_92 : vector<16xf32>
      %select_n3A_94 = arith.select %gt3A_93, %get3A_79, %broadcast_in_dim3A_3 : vector<16xi1>, vector<16xf32>
      %div3A_95 = arith.divf %select_n3A_94, %select_n3A_90 : vector<16xf32>
      %mul3A_96 = arith.mulf %div3A_95, %get3A_86 : vector<16xf32>
      %add3A_97 = arith.addf %add3A_65, %mul3A_96 : vector<16xf32>
      %get3A_98 = arith.constant 3 : i32
      %get3A_99 = arith.constant 0 : i32
      %get3A_100 = arith.index_cast %get3A_98 : i32 to index
      %get3A_101 = arith.index_cast %get3A_99 : i32 to index
      %get3A_102 = arith.constant 0 : index
      %get3A_103 = tpu.vector_load %arg6[%get3A_100, %get3A_101, %get3A_102] {strides = array<i32>} : memref<32x1x128xf32, #tpu.memory_space<vmem>>, vector<1x1x16xf32>,
      %get3A_104 = vector.shape_cast %get3A_103 : vector<1x1x16xf32> to vector<16xf32>
      %get3A_105 = arith.constant 3 : i32
      %get3A_106 = arith.constant 0 : i32
      %get3A_107 = arith.index_cast %get3A_105 : i32 to index
      %get3A_108 = arith.index_cast %get3A_106 : i32 to index
      %get3A_109 = arith.constant 0 : index
      %get3A_110 = tpu.vector_load %arg7[%get3A_107, %get3A_108, %get3A_109] {strides = array<i32>} : memref<32x1x128xf32, #tpu.memory_space<vmem>>, vector<1x1x16xf32>,
      %get3A_111 = vector.shape_cast %get3A_110 : vector<1x1x16xf32> to vector<16xf32>
      %get3A_112 = arith.constant 3 : i32
      %get3A_113 = arith.constant 0 : i32
      %get3A_114 = arith.index_cast %get3A_112 : i32 to index
      %get3A_115 = arith.index_cast %get3A_113 : i32 to index
      %get3A_116 = arith.constant 0 : index
      %get3A_117 = tpu.vector_load %arg8[%get3A_114, %get3A_115, %get3A_116] {strides = array<i32>} : memref<32x1x128xf32, #tpu.memory_space<vmem>>, vector<1x1x16xf32>,
      %get3A_118 = vector.shape_cast %get3A_117 : vector<1x1x16xf32> to vector<16xf32>
      %gt3A_119 = arith.constant 0.000000e+00 : f32
      %gt3A_120 = vector.broadcast %gt3A_119 : f32 to vector<16xf32>
      %gt3A_121 = arith.cmpf ogt, %get3A_104, %gt3A_120 : vector<16xf32>
      %select_n3A_122 = arith.select %gt3A_121, %get3A_104, %broadcast_in_dim3A_3 : vector<16xi1>, vector<16xf32>
      %gt3A_123 = arith.constant 0.000000e+00 : f32
      %gt3A_124 = vector.broadcast %gt3A_123 : f32 to vector<16xf32>
      %gt3A_125 = arith.cmpf ogt, %get3A_111, %gt3A_124 : vector<16xf32>
      %select_n3A_126 = arith.select %gt3A_125, %get3A_111, %broadcast_in_dim3A_3 : vector<16xi1>, vector<16xf32>
      %div3A_127 = arith.divf %select_n3A_126, %select_n3A_122 : vector<16xf32>
      %mul3A_128 = arith.mulf %div3A_127, %get3A_118 : vector<16xf32>
      %add3A_129 = arith.addf %add3A_97, %mul3A_128 : vector<16xf32>
      %get3A_130 = arith.constant 4 : i32
      %get3A_131 = arith.constant 0 : i32
      %get3A_132 = arith.index_cast %get3A_130 : i32 to index
      %get3A_133 = arith.index_cast %get3A_131 : i32 to index
      %get3A_134 = arith.constant 0 : index
      %get3A_135 = tpu.vector_load %arg6[%get3A_132, %get3A_133, %get3A_134] {strides = array<i32>} : memref<32x1x128xf32, #tpu.memory_space<vmem>>, vector<1x1x16xf32>,
      %get3A_136 = vector.shape_cast %get3A_135 : vector<1x1x16xf32> to vector<16xf32>
      %get3A_137 = arith.constant 4 : i32
      %get3A_138 = arith.constant 0 : i32
      %get3A_139 = arith.index_cast %get3A_137 : i32 to index
      %get3A_140 = arith.index_cast %get3A_138 : i32 to index
      %get3A_141 = arith.constant 0 : index
      %get3A_142 = tpu.vector_load %arg7[%get3A_139, %get3A_140, %get3A_141] {strides = array<i32>} : memref<32x1x128xf32, #tpu.memory_space<vmem>>, vector<1x1x16xf32>,
      %get3A_143 = vector.shape_cast %get3A_142 : vector<1x1x16xf32> to vector<16xf32>
      %get3A_144 = arith.constant 4 : i32
      %get3A_145 = arith.constant 0 : i32
      %get3A_146 = arith.index_cast %get3A_144 : i32 to index
      %get3A_147 = arith.index_cast %get3A_145 : i32 to index
      %get3A_148 = arith.constant 0 : index
      %get3A_149 = tpu.vector_load %arg8[%get3A_146, %get3A_147, %get3A_148] {strides = array<i32>} : memref<32x1x128xf32, #tpu.memory_space<vmem>>, vector<1x1x16xf32>,
      %get3A_150 = vector.shape_cast %get3A_149 : vector<1x1x16xf32> to vector<16xf32>
      %gt3A_151 = arith.constant 0.000000e+00 : f32
      %gt3A_152 = vector.broadcast %gt3A_151 : f32 to vector<16xf32>
      %gt3A_153 = arith.cmpf ogt, %get3A_136, %gt3A_152 : vector<16xf32>
      %select_n3A_154 = arith.select %gt3A_153, %get3A_136, %broadcast_in_dim3A_3 : vector<16xi1>, vector<16xf32>
      %gt3A_155 = arith.constant 0.000000e+00 : f32
      %gt3A_156 = vector.broadcast %gt3A_155 : f32 to vector<16xf32>
      %gt3A_157 = arith.cmpf ogt, %get3A_143, %gt3A_156 : vector<16xf32>
      %select_n3A_158 = arith.select %gt3A_157, %get3A_143, %broadcast_in_dim3A_3 : vector<16xi1>, vector<16xf32>
      %div3A_159 = arith.divf %select_n3A_158, %select_n3A_154 : vector<16xf32>
      %mul3A_160 = arith.mulf %div3A_159, %get3A_150 : vector<16xf32>
      %add3A_161 = arith.addf %add3A_129, %mul3A_160 : vector<16xf32>
      %get3A_162 = arith.constant 5 : i32
      %get3A_163 = arith.constant 0 : i32
      %get3A_164 = arith.index_cast %get3A_162 : i32 to index
      %get3A_165 = arith.index_cast %get3A_163 : i32 to index
      %get3A_166 = arith.constant 0 : index
      %get3A_167 = tpu.vector_load %arg6[%get3A_164, %get3A_165, %get3A_166] {strides = array<i32>} : memref<32x1x128xf32, #tpu.memory_space<vmem>>, vector<1x1x16xf32>,
      %get3A_168 = vector.shape_cast %get3A_167 : vector<1x1x16xf32> to vector<16xf32>
      %get3A_169 = arith.constant 5 : i32
      %get3A_170 = arith.constant 0 : i32
      %get3A_171 = arith.index_cast %get3A_169 : i32 to index
      %get3A_172 = arith.index_cast %get3A_170 : i32 to index
      %get3A_173 = arith.constant 0 : index
      %get3A_174 = tpu.vector_load %arg7[%get3A_171, %get3A_172, %get3A_173] {strides = array<i32>} : memref<32x1x128xf32, #tpu.memory_space<vmem>>, vector<1x1x16xf32>,
      %get3A_175 = vector.shape_cast %get3A_174 : vector<1x1x16xf32> to vector<16xf32>
      %get3A_176 = arith.constant 5 : i32
      %get3A_177 = arith.constant 0 : i32
      %get3A_178 = arith.index_cast %get3A_176 : i32 to index
      %get3A_179 = arith.index_cast %get3A_177 : i32 to index
      %get3A_180 = arith.constant 0 : index
      %get3A_181 = tpu.vector_load %arg8[%get3A_178, %get3A_179, %get3A_180] {strides = array<i32>} : memref<32x1x128xf32, #tpu.memory_space<vmem>>, vector<1x1x16xf32>,
      %get3A_182 = vector.shape_cast %get3A_181 : vector<1x1x16xf32> to vector<16xf32>
      %gt3A_183 = arith.constant 0.000000e+00 : f32
      %gt3A_184 = vector.broadcast %gt3A_183 : f32 to vector<16xf32>
      %gt3A_185 = arith.cmpf ogt, %get3A_168, %gt3A_184 : vector<16xf32>
      %select_n3A_186 = arith.select %gt3A_185, %get3A_168, %broadcast_in_dim3A_3 : vector<16xi1>, vector<16xf32>
      %gt3A_187 = arith.constant 0.000000e+00 : f32
      %gt3A_188 = vector.broadcast %gt3A_187 : f32 to vector<16xf32>
      %gt3A_189 = arith.cmpf ogt, %get3A_175, %gt3A_188 : vector<16xf32>
      %select_n3A_190 = arith.select %gt3A_189, %get3A_175, %broadcast_in_dim3A_3 : vector<16xi1>, vector<16xf32>
      %div3A_191 = arith.divf %select_n3A_190, %select_n3A_186 : vector<16xf32>
      %mul3A_192 = arith.mulf %div3A_191, %get3A_182 : vector<16xf32>
      %add3A_193 = arith.addf %add3A_161, %mul3A_192 : vector<16xf32>
      %get3A_194 = arith.constant 6 : i32
      %get3A_195 = arith.constant 0 : i32
      %get3A_196 = arith.index_cast %get3A_194 : i32 to index
      %get3A_197 = arith.index_cast %get3A_195 : i32 to index
      %get3A_198 = arith.constant 0 : index
      %get3A_199 = tpu.vector_load %arg6[%get3A_196, %get3A_197, %get3A_198] {strides = array<i32>} : memref<32x1x128xf32, #tpu.memory_space<vmem>>, vector<1x1x16xf32>,
      %get3A_200 = vector.shape_cast %get3A_199 : vector<1x1x16xf32> to vector<16xf32>
      %get3A_201 = arith.constant 6 : i32
      %get3A_202 = arith.constant 0 : i32
      %get3A_203 = arith.index_cast %get3A_201 : i32 to index
      %get3A_204 = arith.index_cast %get3A_202 : i32 to index
      %get3A_205 = arith.constant 0 : index
      %get3A_206 = tpu.vector_load %arg7[%get3A_203, %get3A_204, %get3A_205] {strides = array<i32>} : memref<32x1x128xf32, #tpu.memory_space<vmem>>, vector<1x1x16xf32>,
      %get3A_207 = vector.shape_cast %get3A_206 : vector<1x1x16xf32> to vector<16xf32>
      %get3A_208 = arith.constant 6 : i32
      %get3A_209 = arith.constant 0 : i32
      %get3A_210 = arith.index_cast %get3A_208 : i32 to index
      %get3A_211 = arith.index_cast %get3A_209 : i32 to index
      %get3A_212 = arith.constant 0 : index
      %get3A_213 = tpu.vector_load %arg8[%get3A_210, %get3A_211, %get3A_212] {strides = array<i32>} : memref<32x1x128xf32, #tpu.memory_space<vmem>>, vector<1x1x16xf32>,
      %get3A_214 = vector.shape_cast %get3A_213 : vector<1x1x16xf32> to vector<16xf32>
      %gt3A_215 = arith.constant 0.000000e+00 : f32
      %gt3A_216 = vector.broadcast %gt3A_215 : f32 to vector<16xf32>
      %gt3A_217 = arith.cmpf ogt, %get3A_200, %gt3A_216 : vector<16xf32>
      %select_n3A_218 = arith.select %gt3A_217, %get3A_200, %broadcast_in_dim3A_3 : vector<16xi1>, vector<16xf32>
      %gt3A_219 = arith.constant 0.000000e+00 : f32
      %gt3A_220 = vector.broadcast %gt3A_219 : f32 to vector<16xf32>
      %gt3A_221 = arith.cmpf ogt, %get3A_207, %gt3A_220 : vector<16xf32>
      %select_n3A_222 = arith.select %gt3A_221, %get3A_207, %broadcast_in_dim3A_3 : vector<16xi1>, vector<16xf32>
      %div3A_223 = arith.divf %select_n3A_222, %select_n3A_218 : vector<16xf32>
      %mul3A_224 = arith.mulf %div3A_223, %get3A_214 : vector<16xf32>
      %add3A_225 = arith.addf %add3A_193, %mul3A_224 : vector<16xf32>
      %get3A_226 = arith.constant 7 : i32
      %get3A_227 = arith.constant 0 : i32
      %get3A_228 = arith.index_cast %get3A_226 : i32 to index
      %get3A_229 = arith.index_cast %get3A_227 : i32 to index
      %get3A_230 = arith.constant 0 : index
      %get3A_231 = tpu.vector_load %arg6[%get3A_228, %get3A_229, %get3A_230] {strides = array<i32>} : memref<32x1x128xf32, #tpu.memory_space<vmem>>, vector<1x1x16xf32>,
      %get3A_232 = vector.shape_cast %get3A_231 : vector<1x1x16xf32> to vector<16xf32>
      %get3A_233 = arith.constant 7 : i32
      %get3A_234 = arith.constant 0 : i32
      %get3A_235 = arith.index_cast %get3A_233 : i32 to index
      %get3A_236 = arith.index_cast %get3A_234 : i32 to index
      %get3A_237 = arith.constant 0 : index
      %get3A_238 = tpu.vector_load %arg7[%get3A_235, %get3A_236, %get3A_237] {strides = array<i32>} : memref<32x1x128xf32, #tpu.memory_space<vmem>>, vector<1x1x16xf32>,
      %get3A_239 = vector.shape_cast %get3A_238 : vector<1x1x16xf32> to vector<16xf32>
      %get3A_240 = arith.constant 7 : i32
      %get3A_241 = arith.constant 0 : i32
      %get3A_242 = arith.index_cast %get3A_240 : i32 to index
      %get3A_243 = arith.index_cast %get3A_241 : i32 to index
      %get3A_244 = arith.constant 0 : index
      %get3A_245 = tpu.vector_load %arg8[%get3A_242, %get3A_243, %get3A_244] {strides = array<i32>} : memref<32x1x128xf32, #tpu.memory_space<vmem>>, vector<1x1x16xf32>,
      %get3A_246 = vector.shape_cast %get3A_245 : vector<1x1x16xf32> to vector<16xf32>
      %gt3A_247 = arith.constant 0.000000e+00 : f32
      %gt3A_248 = vector.broadcast %gt3A_247 : f32 to vector<16xf32>
      %gt3A_249 = arith.cmpf ogt, %get3A_232, %gt3A_248 : vector<16xf32>
      %select_n3A_250 = arith.select %gt3A_249, %get3A_232, %broadcast_in_dim3A_3 : vector<16xi1>, vector<16xf32>
      %gt3A_251 = arith.constant 0.000000e+00 : f32
      %gt3A_252 = vector.broadcast %gt3A_251 : f32 to vector<16xf32>
      %gt3A_253 = arith.cmpf ogt, %get3A_239, %gt3A_252 : vector<16xf32>
      %select_n3A_254 = arith.select %gt3A_253, %get3A_239, %broadcast_in_dim3A_3 : vector<16xi1>, vector<16xf32>
      %div3A_255 = arith.divf %select_n3A_254, %select_n3A_250 : vector<16xf32>
      %mul3A_256 = arith.mulf %div3A_255, %get3A_246 : vector<16xf32>
      %add3A_257 = arith.addf %add3A_225, %mul3A_256 : vector<16xf32>
      %get3A_258 = arith.constant 8 : i32
      %get3A_259 = arith.constant 0 : i32
      %get3A_260 = arith.index_cast %get3A_258 : i32 to index
      %get3A_261 = arith.index_cast %get3A_259 : i32 to index
      %get3A_262 = arith.constant 0 : index
      %get3A_263 = tpu.vector_load %arg6[%get3A_260, %get3A_261, %get3A_262] {strides = array<i32>} : memref<32x1x128xf32, #tpu.memory_space<vmem>>, vector<1x1x16xf32>,
      %get3A_264 = vector.shape_cast %get3A_263 : vector<1x1x16xf32> to vector<16xf32>
      %get3A_265 = arith.constant 8 : i32
      %get3A_266 = arith.constant 0 : i32
      %get3A_267 = arith.index_cast %get3A_265 : i32 to index
      %get3A_268 = arith.index_cast %get3A_266 : i32 to index
      %get3A_269 = arith.constant 0 : index
      %get3A_270 = tpu.vector_load %arg7[%get3A_267, %get3A_268, %get3A_269] {strides = array<i32>} : memref<32x1x128xf32, #tpu.memory_space<vmem>>, vector<1x1x16xf32>,
      %get3A_271 = vector.shape_cast %get3A_270 : vector<1x1x16xf32> to vector<16xf32>
      %get3A_272 = arith.constant 8 : i32
      %get3A_273 = arith.constant 0 : i32
      %get3A_274 = arith.index_cast %get3A_272 : i32 to index
      %get3A_275 = arith.index_cast %get3A_273 : i32 to index
      %get3A_276 = arith.constant 0 : index
      %get3A_277 = tpu.vector_load %arg8[%get3A_274, %get3A_275, %get3A_276] {strides = array<i32>} : memref<32x1x128xf32, #tpu.memory_space<vmem>>, vector<1x1x16xf32>,
      %get3A_278 = vector.shape_cast %get3A_277 : vector<1x1x16xf32> to vector<16xf32>
      %gt3A_279 = arith.constant 0.000000e+00 : f32
      %gt3A_280 = vector.broadcast %gt3A_279 : f32 to vector<16xf32>
      %gt3A_281 = arith.cmpf ogt, %get3A_264, %gt3A_280 : vector<16xf32>
      %select_n3A_282 = arith.select %gt3A_281, %get3A_264, %broadcast_in_dim3A_3 : vector<16xi1>, vector<16xf32>
      %gt3A_283 = arith.constant 0.000000e+00 : f32
      %gt3A_284 = vector.broadcast %gt3A_283 : f32 to vector<16xf32>
      %gt3A_285 = arith.cmpf ogt, %get3A_271, %gt3A_284 : vector<16xf32>
      %select_n3A_286 = arith.select %gt3A_285, %get3A_271, %broadcast_in_dim3A_3 : vector<16xi1>, vector<16xf32>
      %div3A_287 = arith.divf %select_n3A_286, %select_n3A_282 : vector<16xf32>
      %mul3A_288 = arith.mulf %div3A_287, %get3A_278 : vector<16xf32>
      %add3A_289 = arith.addf %add3A_257, %mul3A_288 : vector<16xf32>
      %get3A_290 = arith.constant 9 : i32
      %get3A_291 = arith.constant 0 : i32
      %get3A_292 = arith.index_cast %get3A_290 : i32 to index
      %get3A_293 = arith.index_cast %get3A_291 : i32 to index
      %get3A_294 = arith.constant 0 : index
      %get3A_295 = tpu.vector_load %arg6[%get3A_292, %get3A_293, %get3A_294] {strides = array<i32>} : memref<32x1x128xf32, #tpu.memory_space<vmem>>, vector<1x1x16xf32>,
      %get3A_296 = vector.shape_cast %get3A_295 : vector<1x1x16xf32> to vector<16xf32>
      %get3A_297 = arith.constant 9 : i32
      %get3A_298 = arith.constant 0 : i32
      %get3A_299 = arith.index_cast %get3A_297 : i32 to index
      %get3A_300 = arith.index_cast %get3A_298 : i32 to index
      %get3A_301 = arith.constant 0 : index
      %get3A_302 = tpu.vector_load %arg7[%get3A_299, %get3A_300, %get3A_301] {strides = array<i32>} : memref<32x1x128xf32, #tpu.memory_space<vmem>>, vector<1x1x16xf32>,
      %get3A_303 = vector.shape_cast %get3A_302 : vector<1x1x16xf32> to vector<16xf32>
      %get3A_304 = arith.constant 9 : i32
      %get3A_305 = arith.constant 0 : i32
      %get3A_306 = arith.index_cast %get3A_304 : i32 to index
      %get3A_307 = arith.index_cast %get3A_305 : i32 to index
      %get3A_308 = arith.constant 0 : index
      %get3A_309 = tpu.vector_load %arg8[%get3A_306, %get3A_307, %get3A_308] {strides = array<i32>} : memref<32x1x128xf32, #tpu.memory_space<vmem>>, vector<1x1x16xf32>,
      %get3A_310 = vector.shape_cast %get3A_309 : vector<1x1x16xf32> to vector<16xf32>
      %gt3A_311 = arith.constant 0.000000e+00 : f32
      %gt3A_312 = vector.broadcast %gt3A_311 : f32 to vector<16xf32>
      %gt3A_313 = arith.cmpf ogt, %get3A_296, %gt3A_312 : vector<16xf32>
      %select_n3A_314 = arith.select %gt3A_313, %get3A_296, %broadcast_in_dim3A_3 : vector<16xi1>, vector<16xf32>
      %gt3A_315 = arith.constant 0.000000e+00 : f32
      %gt3A_316 = vector.broadcast %gt3A_315 : f32 to vector<16xf32>
      %gt3A_317 = arith.cmpf ogt, %get3A_303, %gt3A_316 : vector<16xf32>
      %select_n3A_318 = arith.select %gt3A_317, %get3A_303, %broadcast_in_dim3A_3 : vector<16xi1>, vector<16xf32>
      %div3A_319 = arith.divf %select_n3A_318, %select_n3A_314 : vector<16xf32>
      %mul3A_320 = arith.mulf %div3A_319, %get3A_310 : vector<16xf32>
      %add3A_321 = arith.addf %add3A_289, %mul3A_320 : vector<16xf32>
      %get3A_322 = arith.constant 10 : i32
      %get3A_323 = arith.constant 0 : i32
      %get3A_324 = arith.index_cast %get3A_322 : i32 to index
      %get3A_325 = arith.index_cast %get3A_323 : i32 to index
      %get3A_326 = arith.constant 0 : index
      %get3A_327 = tpu.vector_load %arg6[%get3A_324, %get3A_325, %get3A_326] {strides = array<i32>} : memref<32x1x128xf32, #tpu.memory_space<vmem>>, vector<1x1x16xf32>,
      %get3A_328 = vector.shape_cast %get3A_327 : vector<1x1x16xf32> to vector<16xf32>
      %get3A_329 = arith.constant 10 : i32
      %get3A_330 = arith.constant 0 : i32
      %get3A_331 = arith.index_cast %get3A_329 : i32 to index
      %get3A_332 = arith.index_cast %get3A_330 : i32 to index
      %get3A_333 = arith.constant 0 : index
      %get3A_334 = tpu.vector_load %arg7[%get3A_331, %get3A_332, %get3A_333] {strides = array<i32>} : memref<32x1x128xf32, #tpu.memory_space<vmem>>, vector<1x1x16xf32>,
      %get3A_335 = vector.shape_cast %get3A_334 : vector<1x1x16xf32> to vector<16xf32>
      %get3A_336 = arith.constant 10 : i32
      %get3A_337 = arith.constant 0 : i32
      %get3A_338 = arith.index_cast %get3A_336 : i32 to index
      %get3A_339 = arith.index_cast %get3A_337 : i32 to index
      %get3A_340 = arith.constant 0 : index
      %get3A_341 = tpu.vector_load %arg8[%get3A_338, %get3A_339, %get3A_340] {strides = array<i32>} : memref<32x1x128xf32, #tpu.memory_space<vmem>>, vector<1x1x16xf32>,
      %get3A_342 = vector.shape_cast %get3A_341 : vector<1x1x16xf32> to vector<16xf32>
      %gt3A_343 = arith.constant 0.000000e+00 : f32
      %gt3A_344 = vector.broadcast %gt3A_343 : f32 to vector<16xf32>
      %gt3A_345 = arith.cmpf ogt, %get3A_328, %gt3A_344 : vector<16xf32>
      %select_n3A_346 = arith.select %gt3A_345, %get3A_328, %broadcast_in_dim3A_3 : vector<16xi1>, vector<16xf32>
      %gt3A_347 = arith.constant 0.000000e+00 : f32
      %gt3A_348 = vector.broadcast %gt3A_347 : f32 to vector<16xf32>
      %gt3A_349 = arith.cmpf ogt, %get3A_335, %gt3A_348 : vector<16xf32>
      %select_n3A_350 = arith.select %gt3A_349, %get3A_335, %broadcast_in_dim3A_3 : vector<16xi1>, vector<16xf32>
      %div3A_351 = arith.divf %select_n3A_350, %select_n3A_346 : vector<16xf32>
      %mul3A_352 = arith.mulf %div3A_351, %get3A_342 : vector<16xf32>
      %add3A_353 = arith.addf %add3A_321, %mul3A_352 : vector<16xf32>
      %get3A_354 = arith.constant 11 : i32
      %get3A_355 = arith.constant 0 : i32
      %get3A_356 = arith.index_cast %get3A_354 : i32 to index
      %get3A_357 = arith.index_cast %get3A_355 : i32 to index
      %get3A_358 = arith.constant 0 : index
      %get3A_359 = tpu.vector_load %arg6[%get3A_356, %get3A_357, %get3A_358] {strides = array<i32>} : memref<32x1x128xf32, #tpu.memory_space<vmem>>, vector<1x1x16xf32>,
      %get3A_360 = vector.shape_cast %get3A_359 : vector<1x1x16xf32> to vector<16xf32>
      %get3A_361 = arith.constant 11 : i32
      %get3A_362 = arith.constant 0 : i32
      %get3A_363 = arith.index_cast %get3A_361 : i32 to index
      %get3A_364 = arith.index_cast %get3A_362 : i32 to index
      %get3A_365 = arith.constant 0 : index
      %get3A_366 = tpu.vector_load %arg7[%get3A_363, %get3A_364, %get3A_365] {strides = array<i32>} : memref<32x1x128xf32, #tpu.memory_space<vmem>>, vector<1x1x16xf32>,
      %get3A_367 = vector.shape_cast %get3A_366 : vector<1x1x16xf32> to vector<16xf32>
      %get3A_368 = arith.constant 11 : i32
      %get3A_369 = arith.constant 0 : i32
      %get3A_370 = arith.index_cast %get3A_368 : i32 to index
      %get3A_371 = arith.index_cast %get3A_369 : i32 to index
      %get3A_372 = arith.constant 0 : index
      %get3A_373 = tpu.vector_load %arg8[%get3A_370, %get3A_371, %get3A_372] {strides = array<i32>} : memref<32x1x128xf32, #tpu.memory_space<vmem>>, vector<1x1x16xf32>,
      %get3A_374 = vector.shape_cast %get3A_373 : vector<1x1x16xf32> to vector<16xf32>
      %gt3A_375 = arith.constant 0.000000e+00 : f32
      %gt3A_376 = vector.broadcast %gt3A_375 : f32 to vector<16xf32>
      %gt3A_377 = arith.cmpf ogt, %get3A_360, %gt3A_376 : vector<16xf32>
      %select_n3A_378 = arith.select %gt3A_377, %get3A_360, %broadcast_in_dim3A_3 : vector<16xi1>, vector<16xf32>
      %gt3A_379 = arith.constant 0.000000e+00 : f32
      %gt3A_380 = vector.broadcast %gt3A_379 : f32 to vector<16xf32>
      %gt3A_381 = arith.cmpf ogt, %get3A_367, %gt3A_380 : vector<16xf32>
      %select_n3A_382 = arith.select %gt3A_381, %get3A_367, %broadcast_in_dim3A_3 : vector<16xi1>, vector<16xf32>
      %div3A_383 = arith.divf %select_n3A_382, %select_n3A_378 : vector<16xf32>
      %mul3A_384 = arith.mulf %div3A_383, %get3A_374 : vector<16xf32>
      %add3A_385 = arith.addf %add3A_353, %mul3A_384 : vector<16xf32>
      %get3A_386 = arith.constant 12 : i32
      %get3A_387 = arith.constant 0 : i32
      %get3A_388 = arith.index_cast %get3A_386 : i32 to index
      %get3A_389 = arith.index_cast %get3A_387 : i32 to index
      %get3A_390 = arith.constant 0 : index
      %get3A_391 = tpu.vector_load %arg6[%get3A_388, %get3A_389, %get3A_390] {strides = array<i32>} : memref<32x1x128xf32, #tpu.memory_space<vmem>>, vector<1x1x16xf32>,
      %get3A_392 = vector.shape_cast %get3A_391 : vector<1x1x16xf32> to vector<16xf32>
      %get3A_393 = arith.constant 12 : i32
      %get3A_394 = arith.constant 0 : i32
      %get3A_395 = arith.index_cast %get3A_393 : i32 to index
      %get3A_396 = arith.index_cast %get3A_394 : i32 to index
      %get3A_397 = arith.constant 0 : index
      %get3A_398 = tpu.vector_load %arg7[%get3A_395, %get3A_396, %get3A_397] {strides = array<i32>} : memref<32x1x128xf32, #tpu.memory_space<vmem>>, vector<1x1x16xf32>,
      %get3A_399 = vector.shape_cast %get3A_398 : vector<1x1x16xf32> to vector<16xf32>
      %get3A_400 = arith.constant 12 : i32
      %get3A_401 = arith.constant 0 : i32
      %get3A_402 = arith.index_cast %get3A_400 : i32 to index
      %get3A_403 = arith.index_cast %get3A_401 : i32 to index
      %get3A_404 = arith.constant 0 : index
      %get3A_405 = tpu.vector_load %arg8[%get3A_402, %get3A_403, %get3A_404] {strides = array<i32>} : memref<32x1x128xf32, #tpu.memory_space<vmem>>, vector<1x1x16xf32>,
      %get3A_406 = vector.shape_cast %get3A_405 : vector<1x1x16xf32> to vector<16xf32>
      %gt3A_407 = arith.constant 0.000000e+00 : f32
      %gt3A_408 = vector.broadcast %gt3A_407 : f32 to vector<16xf32>
      %gt3A_409 = arith.cmpf ogt, %get3A_392, %gt3A_408 : vector<16xf32>
      %select_n3A_410 = arith.select %gt3A_409, %get3A_392, %broadcast_in_dim3A_3 : vector<16xi1>, vector<16xf32>
      %gt3A_411 = arith.constant 0.000000e+00 : f32
      %gt3A_412 = vector.broadcast %gt3A_411 : f32 to vector<16xf32>
      %gt3A_413 = arith.cmpf ogt, %get3A_399, %gt3A_412 : vector<16xf32>
      %select_n3A_414 = arith.select %gt3A_413, %get3A_399, %broadcast_in_dim3A_3 : vector<16xi1>, vector<16xf32>
      %div3A_415 = arith.divf %select_n3A_414, %select_n3A_410 : vector<16xf32>
      %mul3A_416 = arith.mulf %div3A_415, %get3A_406 : vector<16xf32>
      %add3A_417 = arith.addf %add3A_385, %mul3A_416 : vector<16xf32>
      %get3A_418 = arith.constant 13 : i32
      %get3A_419 = arith.constant 0 : i32
      %get3A_420 = arith.index_cast %get3A_418 : i32 to index
      %get3A_421 = arith.index_cast %get3A_419 : i32 to index
      %get3A_422 = arith.constant 0 : index
      %get3A_423 = tpu.vector_load %arg6[%get3A_420, %get3A_421, %get3A_422] {strides = array<i32>} : memref<32x1x128xf32, #tpu.memory_space<vmem>>, vector<1x1x16xf32>,
      %get3A_424 = vector.shape_cast %get3A_423 : vector<1x1x16xf32> to vector<16xf32>
      %get3A_425 = arith.constant 13 : i32
      %get3A_426 = arith.constant 0 : i32
      %get3A_427 = arith.index_cast %get3A_425 : i32 to index
      %get3A_428 = arith.index_cast %get3A_426 : i32 to index
      %get3A_429 = arith.constant 0 : index
      %get3A_430 = tpu.vector_load %arg7[%get3A_427, %get3A_428, %get3A_429] {strides = array<i32>} : memref<32x1x128xf32, #tpu.memory_space<vmem>>, vector<1x1x16xf32>,
      %get3A_431 = vector.shape_cast %get3A_430 : vector<1x1x16xf32> to vector<16xf32>
      %get3A_432 = arith.constant 13 : i32
      %get3A_433 = arith.constant 0 : i32
      %get3A_434 = arith.index_cast %get3A_432 : i32 to index
      %get3A_435 = arith.index_cast %get3A_433 : i32 to index
      %get3A_436 = arith.constant 0 : index
      %get3A_437 = tpu.vector_load %arg8[%get3A_434, %get3A_435, %get3A_436] {strides = array<i32>} : memref<32x1x128xf32, #tpu.memory_space<vmem>>, vector<1x1x16xf32>,
      %get3A_438 = vector.shape_cast %get3A_437 : vector<1x1x16xf32> to vector<16xf32>
      %gt3A_439 = arith.constant 0.000000e+00 : f32
      %gt3A_440 = vector.broadcast %gt3A_439 : f32 to vector<16xf32>
      %gt3A_441 = arith.cmpf ogt, %get3A_424, %gt3A_440 : vector<16xf32>
      %select_n3A_442 = arith.select %gt3A_441, %get3A_424, %broadcast_in_dim3A_3 : vector<16xi1>, vector<16xf32>
      %gt3A_443 = arith.constant 0.000000e+00 : f32
      %gt3A_444 = vector.broadcast %gt3A_443 : f32 to vector<16xf32>
      %gt3A_445 = arith.cmpf ogt, %get3A_431, %gt3A_444 : vector<16xf32>
      %select_n3A_446 = arith.select %gt3A_445, %get3A_431, %broadcast_in_dim3A_3 : vector<16xi1>, vector<16xf32>
      %div3A_447 = arith.divf %select_n3A_446, %select_n3A_442 : vector<16xf32>
      %mul3A_448 = arith.mulf %div3A_447, %get3A_438 : vector<16xf32>
      %add3A_449 = arith.addf %add3A_417, %mul3A_448 : vector<16xf32>
      %get3A_450 = arith.constant 14 : i32
      %get3A_451 = arith.constant 0 : i32
      %get3A_452 = arith.index_cast %get3A_450 : i32 to index
      %get3A_453 = arith.index_cast %get3A_451 : i32 to index
      %get3A_454 = arith.constant 0 : index
      %get3A_455 = tpu.vector_load %arg6[%get3A_452, %get3A_453, %get3A_454] {strides = array<i32>} : memref<32x1x128xf32, #tpu.memory_space<vmem>>, vector<1x1x16xf32>,
      %get3A_456 = vector.shape_cast %get3A_455 : vector<1x1x16xf32> to vector<16xf32>
      %get3A_457 = arith.constant 14 : i32
      %get3A_458 = arith.constant 0 : i32
      %get3A_459 = arith.index_cast %get3A_457 : i32 to index
      %get3A_460 = arith.index_cast %get3A_458 : i32 to index
      %get3A_461 = arith.constant 0 : index
      %get3A_462 = tpu.vector_load %arg7[%get3A_459, %get3A_460, %get3A_461] {strides = array<i32>} : memref<32x1x128xf32, #tpu.memory_space<vmem>>, vector<1x1x16xf32>,
      %get3A_463 = vector.shape_cast %get3A_462 : vector<1x1x16xf32> to vector<16xf32>
      %get3A_464 = arith.constant 14 : i32
      %get3A_465 = arith.constant 0 : i32
      %get3A_466 = arith.index_cast %get3A_464 : i32 to index
      %get3A_467 = arith.index_cast %get3A_465 : i32 to index
      %get3A_468 = arith.constant 0 : index
      %get3A_469 = tpu.vector_load %arg8[%get3A_466, %get3A_467, %get3A_468] {strides = array<i32>} : memref<32x1x128xf32, #tpu.memory_space<vmem>>, vector<1x1x16xf32>,
      %get3A_470 = vector.shape_cast %get3A_469 : vector<1x1x16xf32> to vector<16xf32>
      %gt3A_471 = arith.constant 0.000000e+00 : f32
      %gt3A_472 = vector.broadcast %gt3A_471 : f32 to vector<16xf32>
      %gt3A_473 = arith.cmpf ogt, %get3A_456, %gt3A_472 : vector<16xf32>
      %select_n3A_474 = arith.select %gt3A_473, %get3A_456, %broadcast_in_dim3A_3 : vector<16xi1>, vector<16xf32>
      %gt3A_475 = arith.constant 0.000000e+00 : f32
      %gt3A_476 = vector.broadcast %gt3A_475 : f32 to vector<16xf32>
      %gt3A_477 = arith.cmpf ogt, %get3A_463, %gt3A_476 : vector<16xf32>
      %select_n3A_478 = arith.select %gt3A_477, %get3A_463, %broadcast_in_dim3A_3 : vector<16xi1>, vector<16xf32>
      %div3A_479 = arith.divf %select_n3A_478, %select_n3A_474 : vector<16xf32>
      %mul3A_480 = arith.mulf %div3A_479, %get3A_470 : vector<16xf32>
      %add3A_481 = arith.addf %add3A_449, %mul3A_480 : vector<16xf32>
      %get3A_482 = arith.constant 15 : i32
      %get3A_483 = arith.constant 0 : i32
      %get3A_484 = arith.index_cast %get3A_482 : i32 to index
      %get3A_485 = arith.index_cast %get3A_483 : i32 to index
      %get3A_486 = arith.constant 0 : index
      %get3A_487 = tpu.vector_load %arg6[%get3A_484, %get3A_485, %get3A_486] {strides = array<i32>} : memref<32x1x128xf32, #tpu.memory_space<vmem>>, vector<1x1x16xf32>,
      %get3A_488 = vector.shape_cast %get3A_487 : vector<1x1x16xf32> to vector<16xf32>
      %get3A_489 = arith.constant 15 : i32
      %get3A_490 = arith.constant 0 : i32
      %get3A_491 = arith.index_cast %get3A_489 : i32 to index
      %get3A_492 = arith.index_cast %get3A_490 : i32 to index
      %get3A_493 = arith.constant 0 : index
      %get3A_494 = tpu.vector_load %arg7[%get3A_491, %get3A_492, %get3A_493] {strides = array<i32>} : memref<32x1x128xf32, #tpu.memory_space<vmem>>, vector<1x1x16xf32>,
      %get3A_495 = vector.shape_cast %get3A_494 : vector<1x1x16xf32> to vector<16xf32>
      %get3A_496 = arith.constant 15 : i32
      %get3A_497 = arith.constant 0 : i32
      %get3A_498 = arith.index_cast %get3A_496 : i32 to index
      %get3A_499 = arith.index_cast %get3A_497 : i32 to index
      %get3A_500 = arith.constant 0 : index
      %get3A_501 = tpu.vector_load %arg8[%get3A_498, %get3A_499, %get3A_500] {strides = array<i32>} : memref<32x1x128xf32, #tpu.memory_space<vmem>>, vector<1x1x16xf32>,
      %get3A_502 = vector.shape_cast %get3A_501 : vector<1x1x16xf32> to vector<16xf32>
      %gt3A_503 = arith.constant 0.000000e+00 : f32
      %gt3A_504 = vector.broadcast %gt3A_503 : f32 to vector<16xf32>
      %gt3A_505 = arith.cmpf ogt, %get3A_488, %gt3A_504 : vector<16xf32>
      %select_n3A_506 = arith.select %gt3A_505, %get3A_488, %broadcast_in_dim3A_3 : vector<16xi1>, vector<16xf32>
      %gt3A_507 = arith.constant 0.000000e+00 : f32
      %gt3A_508 = vector.broadcast %gt3A_507 : f32 to vector<16xf32>
      %gt3A_509 = arith.cmpf ogt, %get3A_495, %gt3A_508 : vector<16xf32>
      %select_n3A_510 = arith.select %gt3A_509, %get3A_495, %broadcast_in_dim3A_3 : vector<16xi1>, vector<16xf32>
      %div3A_511 = arith.divf %select_n3A_510, %select_n3A_506 : vector<16xf32>
      %mul3A_512 = arith.mulf %div3A_511, %get3A_502 : vector<16xf32>
      %add3A_513 = arith.addf %add3A_481, %mul3A_512 : vector<16xf32>
      %get3A_514 = arith.constant 16 : i32
      %get3A_515 = arith.constant 0 : i32
      %get3A_516 = arith.index_cast %get3A_514 : i32 to index
      %get3A_517 = arith.index_cast %get3A_515 : i32 to index
      %get3A_518 = arith.constant 0 : index
      %get3A_519 = tpu.vector_load %arg6[%get3A_516, %get3A_517, %get3A_518] {strides = array<i32>} : memref<32x1x128xf32, #tpu.memory_space<vmem>>, vector<1x1x16xf32>,
      %get3A_520 = vector.shape_cast %get3A_519 : vector<1x1x16xf32> to vector<16xf32>
      %get3A_521 = arith.constant 16 : i32
      %get3A_522 = arith.constant 0 : i32
      %get3A_523 = arith.index_cast %get3A_521 : i32 to index
      %get3A_524 = arith.index_cast %get3A_522 : i32 to index
      %get3A_525 = arith.constant 0 : index
      %get3A_526 = tpu.vector_load %arg7[%get3A_523, %get3A_524, %get3A_525] {strides = array<i32>} : memref<32x1x128xf32, #tpu.memory_space<vmem>>, vector<1x1x16xf32>,
      %get3A_527 = vector.shape_cast %get3A_526 : vector<1x1x16xf32> to vector<16xf32>
      %get3A_528 = arith.constant 16 : i32
      %get3A_529 = arith.constant 0 : i32
      %get3A_530 = arith.index_cast %get3A_528 : i32 to index
      %get3A_531 = arith.index_cast %get3A_529 : i32 to index
      %get3A_532 = arith.constant 0 : index
      %get3A_533 = tpu.vector_load %arg8[%get3A_530, %get3A_531, %get3A_532] {strides = array<i32>} : memref<32x1x128xf32, #tpu.memory_space<vmem>>, vector<1x1x16xf32>,
      %get3A_534 = vector.shape_cast %get3A_533 : vector<1x1x16xf32> to vector<16xf32>
      %gt3A_535 = arith.constant 0.000000e+00 : f32
      %gt3A_536 = vector.broadcast %gt3A_535 : f32 to vector<16xf32>
      %gt3A_537 = arith.cmpf ogt, %get3A_520, %gt3A_536 : vector<16xf32>
      %select_n3A_538 = arith.select %gt3A_537, %get3A_520, %broadcast_in_dim3A_3 : vector<16xi1>, vector<16xf32>
      %gt3A_539 = arith.constant 0.000000e+00 : f32
      %gt3A_540 = vector.broadcast %gt3A_539 : f32 to vector<16xf32>
      %gt3A_541 = arith.cmpf ogt, %get3A_527, %gt3A_540 : vector<16xf32>
      %select_n3A_542 = arith.select %gt3A_541, %get3A_527, %broadcast_in_dim3A_3 : vector<16xi1>, vector<16xf32>
      %div3A_543 = arith.divf %select_n3A_542, %select_n3A_538 : vector<16xf32>
      %mul3A_544 = arith.mulf %div3A_543, %get3A_534 : vector<16xf32>
      %add3A_545 = arith.addf %add3A_513, %mul3A_544 : vector<16xf32>
      %get3A_546 = arith.constant 17 : i32
      %get3A_547 = arith.constant 0 : i32
      %get3A_548 = arith.index_cast %get3A_546 : i32 to index
      %get3A_549 = arith.index_cast %get3A_547 : i32 to index
      %get3A_550 = arith.constant 0 : index
      %get3A_551 = tpu.vector_load %arg6[%get3A_548, %get3A_549, %get3A_550] {strides = array<i32>} : memref<32x1x128xf32, #tpu.memory_space<vmem>>, vector<1x1x16xf32>,
      %get3A_552 = vector.shape_cast %get3A_551 : vector<1x1x16xf32> to vector<16xf32>
      %get3A_553 = arith.constant 17 : i32
      %get3A_554 = arith.constant 0 : i32
      %get3A_555 = arith.index_cast %get3A_553 : i32 to index
      %get3A_556 = arith.index_cast %get3A_554 : i32 to index
      %get3A_557 = arith.constant 0 : index
      %get3A_558 = tpu.vector_load %arg7[%get3A_555, %get3A_556, %get3A_557] {strides = array<i32>} : memref<32x1x128xf32, #tpu.memory_space<vmem>>, vector<1x1x16xf32>,
      %get3A_559 = vector.shape_cast %get3A_558 : vector<1x1x16xf32> to vector<16xf32>
      %get3A_560 = arith.constant 17 : i32
      %get3A_561 = arith.constant 0 : i32
      %get3A_562 = arith.index_cast %get3A_560 : i32 to index
      %get3A_563 = arith.index_cast %get3A_561 : i32 to index
      %get3A_564 = arith.constant 0 : index
      %get3A_565 = tpu.vector_load %arg8[%get3A_562, %get3A_563, %get3A_564] {strides = array<i32>} : memref<32x1x128xf32, #tpu.memory_space<vmem>>, vector<1x1x16xf32>,
      %get3A_566 = vector.shape_cast %get3A_565 : vector<1x1x16xf32> to vector<16xf32>
      %gt3A_567 = arith.constant 0.000000e+00 : f32
      %gt3A_568 = vector.broadcast %gt3A_567 : f32 to vector<16xf32>
      %gt3A_569 = arith.cmpf ogt, %get3A_552, %gt3A_568 : vector<16xf32>
      %select_n3A_570 = arith.select %gt3A_569, %get3A_552, %broadcast_in_dim3A_3 : vector<16xi1>, vector<16xf32>
      %gt3A_571 = arith.constant 0.000000e+00 : f32
      %gt3A_572 = vector.broadcast %gt3A_571 : f32 to vector<16xf32>
      %gt3A_573 = arith.cmpf ogt, %get3A_559, %gt3A_572 : vector<16xf32>
      %select_n3A_574 = arith.select %gt3A_573, %get3A_559, %broadcast_in_dim3A_3 : vector<16xi1>, vector<16xf32>
      %div3A_575 = arith.divf %select_n3A_574, %select_n3A_570 : vector<16xf32>
      %mul3A_576 = arith.mulf %div3A_575, %get3A_566 : vector<16xf32>
      %add3A_577 = arith.addf %add3A_545, %mul3A_576 : vector<16xf32>
      %get3A_578 = arith.constant 18 : i32
      %get3A_579 = arith.constant 0 : i32
      %get3A_580 = arith.index_cast %get3A_578 : i32 to index
      %get3A_581 = arith.index_cast %get3A_579 : i32 to index
      %get3A_582 = arith.constant 0 : index
      %get3A_583 = tpu.vector_load %arg6[%get3A_580, %get3A_581, %get3A_582] {strides = array<i32>} : memref<32x1x128xf32, #tpu.memory_space<vmem>>, vector<1x1x16xf32>,
      %get3A_584 = vector.shape_cast %get3A_583 : vector<1x1x16xf32> to vector<16xf32>
      %get3A_585 = arith.constant 18 : i32
      %get3A_586 = arith.constant 0 : i32
      %get3A_587 = arith.index_cast %get3A_585 : i32 to index
      %get3A_588 = arith.index_cast %get3A_586 : i32 to index
      %get3A_589 = arith.constant 0 : index
      %get3A_590 = tpu.vector_load %arg7[%get3A_587, %get3A_588, %get3A_589] {strides = array<i32>} : memref<32x1x128xf32, #tpu.memory_space<vmem>>, vector<1x1x16xf32>,
      %get3A_591 = vector.shape_cast %get3A_590 : vector<1x1x16xf32> to vector<16xf32>
      %get3A_592 = arith.constant 18 : i32
      %get3A_593 = arith.constant 0 : i32
      %get3A_594 = arith.index_cast %get3A_592 : i32 to index
      %get3A_595 = arith.index_cast %get3A_593 : i32 to index
      %get3A_596 = arith.constant 0 : index
      %get3A_597 = tpu.vector_load %arg8[%get3A_594, %get3A_595, %get3A_596] {strides = array<i32>} : memref<32x1x128xf32, #tpu.memory_space<vmem>>, vector<1x1x16xf32>,
      %get3A_598 = vector.shape_cast %get3A_597 : vector<1x1x16xf32> to vector<16xf32>
      %gt3A_599 = arith.constant 0.000000e+00 : f32
      %gt3A_600 = vector.broadcast %gt3A_599 : f32 to vector<16xf32>
      %gt3A_601 = arith.cmpf ogt, %get3A_584, %gt3A_600 : vector<16xf32>
      %select_n3A_602 = arith.select %gt3A_601, %get3A_584, %broadcast_in_dim3A_3 : vector<16xi1>, vector<16xf32>
      %gt3A_603 = arith.constant 0.000000e+00 : f32
      %gt3A_604 = vector.broadcast %gt3A_603 : f32 to vector<16xf32>
      %gt3A_605 = arith.cmpf ogt, %get3A_591, %gt3A_604 : vector<16xf32>
      %select_n3A_606 = arith.select %gt3A_605, %get3A_591, %broadcast_in_dim3A_3 : vector<16xi1>, vector<16xf32>
      %div3A_607 = arith.divf %select_n3A_606, %select_n3A_602 : vector<16xf32>
      %mul3A_608 = arith.mulf %div3A_607, %get3A_598 : vector<16xf32>
      %add3A_609 = arith.addf %add3A_577, %mul3A_608 : vector<16xf32>
      %div3A_610 = arith.constant 0x4A000000 : f32
      %div3A_611 = vector.broadcast %div3A_610 : f32 to vector<16xf32>
      %div3A_612 = arith.divf %add3A_609, %div3A_611 : vector<16xf32>
      %swap3A = arith.constant 0 : index
      %swap3A_613 = tpu.vector_load %arg9[%swap3A] {strides = array<i32>} : memref<16xf32, #tpu.memory_space<vmem>>, vector<16xf32>,
      %swap3A_614 = vector.shape_cast %swap3A_613 : vector<16xf32> to vector<16xf32>
      %swap3A_615 = vector.shape_cast %div3A_612 : vector<16xf32> to vector<16xf32>
      tpu.vector_store %arg9[%swap3A], %swap3A_615 {strides = array<i32>} : memref<16xf32, #tpu.memory_space<vmem>>, vector<16xf32>,
      "tpu.region"() ({
        %run_scoped3A = tpu.sem_alloc : memref<!tpu.dma_semaphore, #tpu.memory_space<semaphore_mem>>
        tpu.enqueue_dma source(%arg9 : memref<16xf32, #tpu.memory_space<vmem>>) target(%arg5 : memref<16xf32, #tpu.memory_space<hbm>>) target_semaphore(%run_scoped3A : memref<!tpu.dma_semaphore, #tpu.memory_space<semaphore_mem>>)
        tpu.wait_dma2 semaphore(%run_scoped3A : memref<!tpu.dma_semaphore, #tpu.memory_space<semaphore_mem>>) src(%arg9 : memref<16xf32, #tpu.memory_space<vmem>>) dst(%arg5 : memref<16xf32, #tpu.memory_space<hbm>>)
        tpu.yield
      }) : () -> ()
    } else {
    }
    return
  }
}

module attributes {stable_mosaic.version = 14 : i64} {
  func.func @_tc_body(%arg0: i32, %arg1: i32, %arg2: memref<1x19x64x512xf32, #tpu.memory_space<vmem>>, %arg3: memref<1x64x512xi32, #tpu.memory_space<vmem>>, %arg4: memref<32x1x128xf32, #tpu.memory_space<vmem>>, %arg5: memref<32x1x128xf32, #tpu.memory_space<vmem>>, %arg6: memref<32x1x128xf32, #tpu.memory_space<vmem>>, %arg7: memref<32x1x1xf32, #tpu.memory_space<vmem>>, %arg8: memref<32x1x1xf32, #tpu.memory_space<vmem>>, %arg9: memref<32x1x1xf32, #tpu.memory_space<vmem>>) attributes {dimension_semantics = [#tpu.dimension_semantics<arbitrary>, #tpu.dimension_semantics<arbitrary>], iteration_bounds = array<i64: 8, 8>, scalar_prefetch = 0 : i64, scratch_operands = 3 : i64, tpu.core_type = #tpu.core_type<tc>, window_params = [{transform_indices = @transform_0, window_bounds = array<i64: 1, 19, 64, 512>}, {transform_indices = @transform_1, window_bounds = array<i64: 1, 64, 512>}, {pipeline_mode = #tpu.pipeline_mode<synchronous>, transform_indices = @transform_2, window_bounds = array<i64: 32, 1, 128>}, {pipeline_mode = #tpu.pipeline_mode<synchronous>, transform_indices = @transform_3, window_bounds = array<i64: 32, 1, 128>}, {pipeline_mode = #tpu.pipeline_mode<synchronous>, transform_indices = @transform_4, window_bounds = array<i64: 32, 1, 128>}]} {
    %eq3A = arith.constant 0 : i32
    %eq3A_0 = arith.cmpi eq, %arg0, %eq3A : i32
    %eq3A_1 = arith.constant 0 : i32
    %eq3A_2 = arith.cmpi eq, %arg1, %eq3A_1 : i32
    %and3A = arith.andi %eq3A_0, %eq3A_2 : i1
    %convert_element_type3A = arith.extui %and3A : i1 to i32
    %cond3A = arith.constant 0 : i32
    %cond3A_3 = arith.cmpi ne, %convert_element_type3A, %cond3A : i32
    scf.if %cond3A_3 {
      %broadcast_in_dim3A_74 = arith.constant 0.000000e+00 : f32
      %broadcast_in_dim3A_75 = vector.broadcast %broadcast_in_dim3A_74 : f32 to vector<32x1x1xf32>
      %swap3A_76 = arith.constant 0 : index
      %swap3A_77 = arith.constant 0 : index
      %swap3A_78 = arith.constant 0 : index
      %swap3A_79 = vector.load %arg7[%swap3A_76, %swap3A_77, %swap3A_78] : memref<32x1x1xf32, #tpu.memory_space<vmem>>, vector<32x1x1xf32>
      tpu.vector_store %arg7[%swap3A_76, %swap3A_77, %swap3A_78], %broadcast_in_dim3A_75 {strides = array<i32>} : memref<32x1x1xf32, #tpu.memory_space<vmem>>, vector<32x1x1xf32>,
      %broadcast_in_dim3A_80 = arith.constant 0.000000e+00 : f32
      %broadcast_in_dim3A_81 = vector.broadcast %broadcast_in_dim3A_80 : f32 to vector<32x1x1xf32>
      %swap3A_82 = arith.constant 0 : index
      %swap3A_83 = arith.constant 0 : index
      %swap3A_84 = arith.constant 0 : index
      %swap3A_85 = vector.load %arg8[%swap3A_82, %swap3A_83, %swap3A_84] : memref<32x1x1xf32, #tpu.memory_space<vmem>>, vector<32x1x1xf32>
      tpu.vector_store %arg8[%swap3A_82, %swap3A_83, %swap3A_84], %broadcast_in_dim3A_81 {strides = array<i32>} : memref<32x1x1xf32, #tpu.memory_space<vmem>>, vector<32x1x1xf32>,
      %broadcast_in_dim3A_86 = arith.constant 0.000000e+00 : f32
      %broadcast_in_dim3A_87 = vector.broadcast %broadcast_in_dim3A_86 : f32 to vector<32x1x1xf32>
      %swap3A_88 = arith.constant 0 : index
      %swap3A_89 = arith.constant 0 : index
      %swap3A_90 = arith.constant 0 : index
      %swap3A_91 = vector.load %arg9[%swap3A_88, %swap3A_89, %swap3A_90] : memref<32x1x1xf32, #tpu.memory_space<vmem>>, vector<32x1x1xf32>
      tpu.vector_store %arg9[%swap3A_88, %swap3A_89, %swap3A_90], %broadcast_in_dim3A_87 {strides = array<i32>} : memref<32x1x1xf32, #tpu.memory_space<vmem>>, vector<32x1x1xf32>,
    } else {
    }
    %get3A = arith.constant 0 : index
    %get3A_4 = arith.constant 0 : index
    %get3A_5 = arith.constant 0 : index
    %get3A_6 = arith.constant 0 : index
    %get3A_7 = vector.load %arg2[%get3A, %get3A_4, %get3A_5, %get3A_6] : memref<1x19x64x512xf32, #tpu.memory_space<vmem>>, vector<1x19x64x512xf32>
    %get3A_8 = vector.shape_cast %get3A_7 : vector<1x19x64x512xf32> to vector<19x64x512xf32>
    %get3A_9 = arith.constant 0 : index
    %get3A_10 = arith.constant 0 : index
    %get3A_11 = arith.constant 0 : index
    %get3A_12 = vector.load %arg3[%get3A_9, %get3A_10, %get3A_11] : memref<1x64x512xi32, #tpu.memory_space<vmem>>, vector<1x64x512xi32>
    %reduce_max3A = arith.constant dense<0xFF800000> : vector<64x512xf32>
    %reduce_max3A_13 = vector.multi_reduction <maximumf>, %get3A_8, %reduce_max3A [0] : vector<19x64x512xf32> to vector<64x512xf32>
    %broadcast_in_dim3A = vector.shape_cast %reduce_max3A_13 : vector<64x512xf32> to vector<1x64x512xf32>
    %sub3A = vector.broadcast %broadcast_in_dim3A : vector<1x64x512xf32> to vector<19x64x512xf32>
    %sub3A_14 = arith.subf %get3A_8, %sub3A : vector<19x64x512xf32>
    %exp3A = math.exp %sub3A_14 : vector<19x64x512xf32>
    %reduce_sum3A = arith.constant dense<0.000000e+00> : vector<64x512xf32>
    %reduce_sum3A_15 = vector.multi_reduction <add>, %exp3A, %reduce_sum3A [0] : vector<19x64x512xf32> to vector<64x512xf32>
    %broadcast_in_dim3A_16 = vector.shape_cast %reduce_sum3A_15 : vector<64x512xf32> to vector<1x64x512xf32>
    %log3A = math.log %broadcast_in_dim3A_16 : vector<1x64x512xf32>
    %add3A = arith.addf %broadcast_in_dim3A, %log3A : vector<1x64x512xf32>
    %iota3A = tpu.iota {dimensions = array<i32: 0>} : vector<19x64x512xi32>
    %eq3A_17 = vector.broadcast %get3A_12 : vector<1x64x512xi32> to vector<19x64x512xi32>
    %eq3A_18 = arith.cmpi eq, %iota3A, %eq3A_17 : vector<19x64x512xi32>
    %convert_element_type3A_19 = arith.extui %eq3A_18 : vector<19x64x512xi1> to vector<19x64x512xi32>
    %convert_element_type3A_20 = arith.sitofp %convert_element_type3A_19 : vector<19x64x512xi32> to vector<19x64x512xf32>
    %mul3A = arith.mulf %get3A_8, %convert_element_type3A_20 : vector<19x64x512xf32>
    %reduce_sum3A_21 = arith.constant dense<0.000000e+00> : vector<64x512xf32>
    %reduce_sum3A_22 = vector.multi_reduction <add>, %mul3A, %reduce_sum3A_21 [0] : vector<19x64x512xf32> to vector<64x512xf32>
    %broadcast_in_dim3A_23 = vector.shape_cast %reduce_sum3A_22 : vector<64x512xf32> to vector<1x64x512xf32>
    %sub3A_24 = arith.subf %add3A, %broadcast_in_dim3A_23 : vector<1x64x512xf32>
    %lt3A = arith.cmpf olt, %broadcast_in_dim3A_23, %broadcast_in_dim3A : vector<1x64x512xf32>
    %convert_element_type3A_25 = arith.extui %lt3A : vector<1x64x512xi1> to vector<1x64x512xi32>
    %convert_element_type3A_26 = arith.sitofp %convert_element_type3A_25 : vector<1x64x512xi32> to vector<1x64x512xf32>
    %get3A_27 = arith.constant 0 : index
    %get3A_28 = arith.constant 0 : index
    %get3A_29 = arith.constant 0 : index
    %get3A_30 = vector.load %arg7[%get3A_27, %get3A_28, %get3A_29] : memref<32x1x1xf32, #tpu.memory_space<vmem>>, vector<19x1x1xf32>
    %reduce_sum3A_31 = arith.constant dense<0.000000e+00> : vector<19xf32>
    %reduce_sum3A_32 = vector.multi_reduction <add>, %convert_element_type3A_20, %reduce_sum3A_31 [1, 2] : vector<19x64x512xf32> to vector<19xf32>
    %broadcast_in_dim3A_33 = vector.shape_cast %reduce_sum3A_32 : vector<19xf32> to vector<19x1x1xf32>
    %add3A_34 = arith.addf %get3A_30, %broadcast_in_dim3A_33 : vector<19x1x1xf32>
    %swap3A = arith.constant 0 : index
    %swap3A_35 = arith.constant 0 : index
    %swap3A_36 = arith.constant 0 : index
    %swap3A_37 = vector.load %arg7[%swap3A, %swap3A_35, %swap3A_36] : memref<32x1x1xf32, #tpu.memory_space<vmem>>, vector<19x1x1xf32>
    tpu.vector_store %arg7[%swap3A, %swap3A_35, %swap3A_36], %add3A_34 {strides = array<i32>} : memref<32x1x1xf32, #tpu.memory_space<vmem>>, vector<19x1x1xf32>,
    %get3A_38 = arith.constant 0 : index
    %get3A_39 = arith.constant 0 : index
    %get3A_40 = arith.constant 0 : index
    %get3A_41 = vector.load %arg8[%get3A_38, %get3A_39, %get3A_40] : memref<32x1x1xf32, #tpu.memory_space<vmem>>, vector<19x1x1xf32>
    %mul3A_42 = vector.broadcast %convert_element_type3A_26 : vector<1x64x512xf32> to vector<19x64x512xf32>
    %mul3A_43 = arith.mulf %convert_element_type3A_20, %mul3A_42 : vector<19x64x512xf32>
    %reduce_sum3A_44 = arith.constant dense<0.000000e+00> : vector<19xf32>
    %reduce_sum3A_45 = vector.multi_reduction <add>, %mul3A_43, %reduce_sum3A_44 [1, 2] : vector<19x64x512xf32> to vector<19xf32>
    %broadcast_in_dim3A_46 = vector.shape_cast %reduce_sum3A_45 : vector<19xf32> to vector<19x1x1xf32>
    %add3A_47 = arith.addf %get3A_41, %broadcast_in_dim3A_46 : vector<19x1x1xf32>
    %swap3A_48 = arith.constant 0 : index
    %swap3A_49 = arith.constant 0 : index
    %swap3A_50 = arith.constant 0 : index
    %swap3A_51 = vector.load %arg8[%swap3A_48, %swap3A_49, %swap3A_50] : memref<32x1x1xf32, #tpu.memory_space<vmem>>, vector<19x1x1xf32>
    tpu.vector_store %arg8[%swap3A_48, %swap3A_49, %swap3A_50], %add3A_47 {strides = array<i32>} : memref<32x1x1xf32, #tpu.memory_space<vmem>>, vector<19x1x1xf32>,
    %get3A_52 = arith.constant 0 : index
    %get3A_53 = arith.constant 0 : index
    %get3A_54 = arith.constant 0 : index
    %get3A_55 = vector.load %arg9[%get3A_52, %get3A_53, %get3A_54] : memref<32x1x1xf32, #tpu.memory_space<vmem>>, vector<19x1x1xf32>
    %mul3A_56 = vector.broadcast %sub3A_24 : vector<1x64x512xf32> to vector<19x64x512xf32>
    %mul3A_57 = arith.mulf %convert_element_type3A_20, %mul3A_56 : vector<19x64x512xf32>
    %reduce_sum3A_58 = arith.constant dense<0.000000e+00> : vector<19xf32>
    %reduce_sum3A_59 = vector.multi_reduction <add>, %mul3A_57, %reduce_sum3A_58 [1, 2] : vector<19x64x512xf32> to vector<19xf32>
    %broadcast_in_dim3A_60 = vector.shape_cast %reduce_sum3A_59 : vector<19xf32> to vector<19x1x1xf32>
    %add3A_61 = arith.addf %get3A_55, %broadcast_in_dim3A_60 : vector<19x1x1xf32>
    %swap3A_62 = arith.constant 0 : index
    %swap3A_63 = arith.constant 0 : index
    %swap3A_64 = arith.constant 0 : index
    %swap3A_65 = vector.load %arg9[%swap3A_62, %swap3A_63, %swap3A_64] : memref<32x1x1xf32, #tpu.memory_space<vmem>>, vector<19x1x1xf32>
    tpu.vector_store %arg9[%swap3A_62, %swap3A_63, %swap3A_64], %add3A_61 {strides = array<i32>} : memref<32x1x1xf32, #tpu.memory_space<vmem>>, vector<19x1x1xf32>,
    %eq3A_66 = arith.constant 7 : i32
    %eq3A_67 = arith.cmpi eq, %arg0, %eq3A_66 : i32
    %eq3A_68 = arith.constant 7 : i32
    %eq3A_69 = arith.cmpi eq, %arg1, %eq3A_68 : i32
    %and3A_70 = arith.andi %eq3A_67, %eq3A_69 : i1
    %convert_element_type3A_71 = arith.extui %and3A_70 : i1 to i32
    %cond3A_72 = arith.constant 0 : i32
    %cond3A_73 = arith.cmpi ne, %convert_element_type3A_71, %cond3A_72 : i32
    scf.if %cond3A_73 {
      %get3A_74 = arith.constant 0 : index
      %get3A_75 = arith.constant 0 : index
      %get3A_76 = arith.constant 0 : index
      %get3A_77 = vector.load %arg7[%get3A_74, %get3A_75, %get3A_76] : memref<32x1x1xf32, #tpu.memory_space<vmem>>, vector<32x1x1xf32>
      %broadcast_in_dim3A_78 = vector.shape_cast %get3A_77 : vector<32x1x1xf32> to vector<32x1x1xf32>
      %broadcast_in_dim3A_79 = vector.broadcast %broadcast_in_dim3A_78 : vector<32x1x1xf32> to vector<32x1x128xf32>
      %swap3A_80 = arith.constant 0 : index
      %swap3A_81 = arith.constant 0 : index
      %swap3A_82 = arith.constant 0 : index
      %swap3A_83 = vector.load %arg4[%swap3A_80, %swap3A_81, %swap3A_82] : memref<32x1x128xf32, #tpu.memory_space<vmem>>, vector<32x1x128xf32>
      tpu.vector_store %arg4[%swap3A_80, %swap3A_81, %swap3A_82], %broadcast_in_dim3A_79 {strides = array<i32>} : memref<32x1x128xf32, #tpu.memory_space<vmem>>, vector<32x1x128xf32>,
      %get3A_84 = arith.constant 0 : index
      %get3A_85 = arith.constant 0 : index
      %get3A_86 = arith.constant 0 : index
      %get3A_87 = vector.load %arg8[%get3A_84, %get3A_85, %get3A_86] : memref<32x1x1xf32, #tpu.memory_space<vmem>>, vector<32x1x1xf32>
      %broadcast_in_dim3A_88 = vector.shape_cast %get3A_87 : vector<32x1x1xf32> to vector<32x1x1xf32>
      %broadcast_in_dim3A_89 = vector.broadcast %broadcast_in_dim3A_88 : vector<32x1x1xf32> to vector<32x1x128xf32>
      %swap3A_90 = arith.constant 0 : index
      %swap3A_91 = arith.constant 0 : index
      %swap3A_92 = arith.constant 0 : index
      %swap3A_93 = vector.load %arg5[%swap3A_90, %swap3A_91, %swap3A_92] : memref<32x1x128xf32, #tpu.memory_space<vmem>>, vector<32x1x128xf32>
      tpu.vector_store %arg5[%swap3A_90, %swap3A_91, %swap3A_92], %broadcast_in_dim3A_89 {strides = array<i32>} : memref<32x1x128xf32, #tpu.memory_space<vmem>>, vector<32x1x128xf32>,
      %get3A_94 = arith.constant 0 : index
      %get3A_95 = arith.constant 0 : index
      %get3A_96 = arith.constant 0 : index
      %get3A_97 = vector.load %arg9[%get3A_94, %get3A_95, %get3A_96] : memref<32x1x1xf32, #tpu.memory_space<vmem>>, vector<32x1x1xf32>
      %broadcast_in_dim3A_98 = vector.shape_cast %get3A_97 : vector<32x1x1xf32> to vector<32x1x1xf32>
      %broadcast_in_dim3A_99 = vector.broadcast %broadcast_in_dim3A_98 : vector<32x1x1xf32> to vector<32x1x128xf32>
      %swap3A_100 = arith.constant 0 : index
      %swap3A_101 = arith.constant 0 : index
      %swap3A_102 = arith.constant 0 : index
      %swap3A_103 = vector.load %arg6[%swap3A_100, %swap3A_101, %swap3A_102] : memref<32x1x128xf32, #tpu.memory_space<vmem>>, vector<32x1x128xf32>
      tpu.vector_store %arg6[%swap3A_100, %swap3A_101, %swap3A_102], %broadcast_in_dim3A_99 {strides = array<i32>} : memref<32x1x128xf32, #tpu.memory_space<vmem>>, vector<32x1x128xf32>,
    } else {
    }
    return
  }
  func.func @transform_0(%arg0: i32, %arg1: i32) -> (i32, i32, i32, i32) {
    %c0_i32 = arith.constant 0 : i32
    %c0_i32_0 = arith.constant 0 : i32
    %c0_i32_1 = arith.constant 0 : i32
    return %arg0, %c0_i32, %arg1, %c0_i32_0 : i32, i32, i32, i32
  }
  func.func @transform_1(%arg0: i32, %arg1: i32) -> (i32, i32, i32) {
    %c0_i32 = arith.constant 0 : i32
    %c0_i32_0 = arith.constant 0 : i32
    return %arg0, %arg1, %c0_i32 : i32, i32, i32
  }
  func.func @transform_2(%arg0: i32, %arg1: i32) -> (i32, i32, i32) {
    %c0_i32 = arith.constant 0 : i32
    %c0_i32_0 = arith.constant 0 : i32
    %c0_i32_1 = arith.constant 0 : i32
    %c0_i32_2 = arith.constant 0 : i32
    return %c0_i32, %c0_i32_0, %c0_i32_1 : i32, i32, i32
  }
  func.func @transform_3(%arg0: i32, %arg1: i32) -> (i32, i32, i32) {
    %c0_i32 = arith.constant 0 : i32
    %c0_i32_0 = arith.constant 0 : i32
    %c0_i32_1 = arith.constant 0 : i32
    %c0_i32_2 = arith.constant 0 : i32
    return %c0_i32, %c0_i32_0, %c0_i32_1 : i32, i32, i32
  }
  func.func @transform_4(%arg0: i32, %arg1: i32) -> (i32, i32, i32) {
    %c0_i32 = arith.constant 0 : i32
    %c0_i32_0 = arith.constant 0 : i32
    %c0_i32_1 = arith.constant 0 : i32
    %c0_i32_2 = arith.constant 0 : i32
    return %c0_i32, %c0_i32_0, %c0_i32_1 : i32, i32, i32
  }
}

</mosaic_0001>

<sc_bundles>
// kernel: kernel.4.cloned.1.call-start
scs
__scs_entry_jumppad:
0x0: {  	(pc) =	sbr.rel $0x88, $3  }
0x1: {  	(tag) =	ssettag $0x0;
	lr =	simm.s32 $0x1  }
0x2: {  	[smem:$0x3F9F] =	sst lr;
	_ =	strace $0xD0000000  }
0x3: {  	_ = 	snop  }
0x4: {  	_ = 	snop  }
0x5: {  	_ = 	snop  }
0x6: {  	_ = 	snop  }
0x7: {  	_ = 	snop  }
__scs_overlays_trampoline_lowered:
0x8: {  	[smem:$0x3FAE] =	sst s0  }
0x9: {  	[smem:$0x3FAF] =	sst s1  }
0xa: {  	[smem:$0x3FB0] =	sst s2  }
0xb: {  	[smem:$0x3FB1] =	sst s3  }
0xc: {  	[smem:$0x3FB2] =	sst s4  }
0xd: {  	[smem:$0x3FB3] =	sst s5  }
0xe: {  	[smem:$0x3FB4] =	sst s6  }
0xf: {  	[smem:$0x3FB5] =	sst s7  }
0x10: {  	[smem:$0x3FB6] =	sst s8  }
0x11: {  	[smem:$0x3FB7] =	sst s9;
	s0 =	simm.s32 @!p0 $0x0  }
0x12: {  	s1 =	sld [smem:$0x3F9D];
	s0 =	simm.s32 @p0 $0x1  }
0x13: {  	[smem:$0x3FB8] =	sst s0;
	s0 =	simm.s32 @!p1 $0x0  }
0x14: {  	s2 =	sld [smem:$0x3F9C];
	s0 =	simm.s32 @p1 $0x1  }
0x15: {  	[smem:$0x3FB9] =	sst s0;
	s0 =	simm.s32 @!p2 $0x0  }
0x16: {  	s3 =	sld [smem:$0x3FDB];
	s0 =	simm.s32 @p2 $0x1  }
0x17: {  	s4 =	simm.s32 $0x1BF5;
	[smem:$0x3FBB] =	sst s0  }
0x18: {  	s0 =	sld [smem:$0x3F9E];
	_ =	swait.ge [sflag:s4], $0x0  }
0x19: {  	s7 =	sld [smem:$0x3F9F]  }
0x1a: {  	s8 =	sadd.s32 $0xFFFFE003, lr  }
0x1b: {  	s9 =	sadd.s32 $0xFFFFFEF7, lr;
	s5 =	simm.s32 $0xFFFFFFFF;
	p2 =	slt.u32 s8, $0xFFFFF086  }
0x1c: {  	p1 =	slt.u32 s9, $0xF7A;
	s5 =	simm.s32 @!p2 $0x0  }
0x1d: {  	s5 =	simm.s32 @p1 $0x1;
	p0 =	seq.s32 s7, s2  }
0x1e: {  	s7 =	smul.u32 @!p0 $0xF7A, s2;
	p2 =	seq.s32 @!p0 s5, $0x0  }
0x1f: {  	s9 =	smul.u32 $0xF7A, s1;
	s8 =	simm.s32 @!p0 $0x1BF5;
	p2 =	por !p2, p0  }
0x20: {  	[sflag:s8] =	ssyncset.s32 @!p0 $0xFFFFF086;
	s6 =	sadd.s32 @!p0 s3, s7;
	s7 =	simm.s32 @!p0 $0x108  }
0x21: {  	s3 =	sadd.s32 s3, s9;
	s6 =	sadd.s32 @!p0 $0x88, s6;
	s7 =	simm.s32 @p2 $0x1082  }
0x22: {  	[simem:s7], [sflag:s8] =	dma.local @!p0 [hbm:s6], $0xF7A  }
0x23: {  	s9 =	sor.u32 $0xD0000000, s2;
	s6 =	simm.s32 $0x108;
	_ =	swait.ge @!p0 [sflag:s8], $0x0  }
0x24: {  	s3 =	sadd.s32 $0x88, s3;
	s6 =	simm.s32 @!p1 $0x1082;
	[sflag:s4] =	ssyncset.s32 $0xFFFFF086  }
0x25: {  	[simem:s6], [sflag:s4] =	dma.local [hbm:s3], $0xF7A  }
0x26: {  	[smem:$0x3F9F] =	sst s1;
	(tag) =	ssettag s2;
	_ =	strace s9  }
0x27: {  	s1 =	sld [smem:$0x3FAF]  }
0x28: {  	s2 =	sld [smem:$0x3FB0]  }
0x29: {  	s4 =	sld [smem:$0x3FB2]  }
0x2a: {  	p0 =	seq.s32 s5, $0x0;
	s5 =	sld [smem:$0x3FB3]  }
0x2b: {  	s6 =	sld [smem:$0x3FB4]  }
0x2c: {  	s7 =	sld [smem:$0x3FB5]  }
0x2d: {  	s3 =	simm.s32 $0x108;
	s8 =	sld [smem:$0x3FB6]  }
0x2e: {  	s3 =	simm.s32 @!p0 $0x1082;
	s9 =	sld [smem:$0x3FB7]  }
0x2f: {  	lr =	sadd.s32 s0, s3;
	s0 =	sld [smem:$0x3FAE]  }
0x30: {  	s3 =	sld [smem:$0x3FB1]  }
0x31: {  	[smem:$0x3FBA] =	sst s10  }
0x32: {  	s10 =	sld [smem:$0x3FB8];
	_ =	sdelay $0x3  }
0x33: {  	p0 =	seq.s32 s10, $0x1;
	s10 =	sld [smem:$0x3FBA];
	_ =	sdelay $0x3  }
0x34: {  	[smem:$0x3FBA] =	sst s10  }
0x35: {  	s10 =	sld [smem:$0x3FB9];
	_ =	sdelay $0x3  }
0x36: {  	p1 =	seq.s32 s10, $0x1;
	s10 =	sld [smem:$0x3FBA];
	_ =	sdelay $0x3  }
0x37: {  	[smem:$0x3FBA] =	sst s10  }
0x38: {  	s10 =	sld [smem:$0x3FBB]  }
0x39: {  	_ = 	snop;
	(pc) =	sbr.ind lr, $3  }
0x3a: {  	_ = 	snop  }
0x3b: {  	_ = 	snop  }
0x3c: {  	p2 =	seq.s32 s10, $0x1;
	s10 =	sld [smem:$0x3FBA]  }
0x3d: {  	_ =	shalt  }
0x3e: {  	_ =	shalt  }
0x3f: {  	_ =	shalt  }
0x40: {  	_ =	shalt  }
0x41: {  	_ =	shalt  }
0x42: {  	_ =	shalt  }
0x43: {  	_ =	shalt  }
0x44: {  	_ =	shalt  }
0x45: {  	_ =	shalt  }
0x46: {  	_ =	shalt  }
0x47: {  	_ =	shalt  }
0x48: {  	_ =	shalt  }
0x49: {  	_ =	shalt  }
0x4a: {  	_ =	shalt  }
0x4b: {  	_ =	shalt  }
0x4c: {  	_ =	shalt  }
0x4d: {  	_ =	shalt  }
0x4e: {  	_ =	shalt  }
0x4f: {  	_ =	shalt  }
0x50: {  	_ =	shalt  }
0x51: {  	_ =	shalt  }
0x52: {  	_ =	shalt  }
0x53: {  	_ =	shalt  }
0x54: {  	_ =	shalt  }
0x55: {  	_ =	shalt  }
0x56: {  	_ =	shalt  }
0x57: {  	_ =	shalt  }
0x58: {  	_ =	shalt  }
0x59: {  	_ =	shalt  }
0x5a: {  	_ =	shalt  }
0x5b: {  	_ =	shalt  }
0x5c: {  	_ =	shalt  }
0x5d: {  	_ =	shalt  }
0x5e: {  	_ =	shalt  }
0x5f: {  	_ =	shalt  }
0x60: {  	_ =	shalt  }
0x61: {  	_ =	shalt  }
0x62: {  	_ =	shalt  }
0x63: {  	_ =	shalt  }
0x64: {  	_ =	shalt  }
0x65: {  	_ =	shalt  }
0x66: {  	_ =	shalt  }
0x67: {  	_ =	shalt  }
0x68: {  	_ =	shalt  }
0x69: {  	_ =	shalt  }
0x6a: {  	_ =	shalt  }
0x6b: {  	_ =	shalt  }
0x6c: {  	_ =	shalt  }
0x6d: {  	_ =	shalt  }
0x6e: {  	_ =	shalt  }
0x6f: {  	_ =	shalt  }
0x70: {  	_ =	shalt  }
0x71: {  	_ =	shalt  }
0x72: {  	_ =	shalt  }
0x73: {  	_ =	shalt  }
0x74: {  	_ =	shalt  }
0x75: {  	_ =	shalt  }
0x76: {  	_ =	shalt  }
0x77: {  	_ =	shalt  }
0x78: {  	_ =	shalt  }
0x79: {  	_ =	shalt  }
0x7a: {  	_ =	shalt  }
0x7b: {  	_ =	shalt  }
0x7c: {  	_ =	shalt  }
0x7d: {  	_ =	shalt  }
0x7e: {  	_ =	shalt  }
0x7f: {  	_ =	shalt  }
0x80: {  	_ =	shalt  }
0x81: {  	_ =	shalt  }
0x82: {  	_ =	shalt  }
0x83: {  	_ =	shalt  }
0x84: {  	_ =	shalt  }
0x85: {  	_ =	shalt  }
0x86: {  	_ =	shalt  }
0x87: {  	_ =	shalt  }
.Lfunc_end0:
.L_simem_size_0:
called_computation_lowered:
.L_overlay_start_0:
0x88: {  	s2 =	sld [smem:$0x3FD9]  }
0x89: {  	s3 =	sld [smem:$0x3FFE];
	_ =	sdelay $0x1  }
0x8a: {  	s1 =	srdreg.scid  }
0x8b: {  	s0 =	sand.u32 $0x1, s1  }
0x8c: {  	s17 =	sshll.u32 s0, $0xA;
	s2 =	sadd.s32 s3, s2  }
0x8d: {  	s2 =	sadd.s32 s2, s17  }
0x8e: {  	[smem:$0x3FC6] =	sst s2  }
0x8f: {  	_ = 	snop  }
0x90: {  	s2 =	sld [smem:$0x3FD0];
	(tm) =	ssettm $0x1  }
0x91: {  	s18 =	sld [smem:$0x3FFB];
	_ =	sdelay $0x3  }
0x92: {  	_ =	strace s18  }
0x93: {  	s3 =	sld [smem:$0x3FFC];
	_ =	sdelay $0x3  }
0x94: {  	_ =	strace s3  }
0x95: {  	s3 =	sld [smem:$0x3FFD];
	_ =	sdelay $0x3  }
0x96: {  	_ =	strace s3  }
0x97: {  	_ =	strace $0x8FFFFFFF  }
0x98: {  	s19 =	sld [smem:$0x3FDB];
	_ =	sdelay $0x1  }
0x99: {  	s4 =	simm.s32 $_scs_section_size  }
0x9a: {  	s5 =	simm.s32 $_size__tile_overlayer_lowered;
	s6 =	simm.s32 $_tile_overlayer_lowered  }
0x9b: {  	s22 =	simm.s32 $0x1BFF;
	s21 =	sshll.u32 s6, $0x1;
	s3 =	sadd.s32 s4, s19  }
0x9c: {  	s7 =	simm.s32 $0x0;
	s20 =	sshll.u32 s5, $0x1;
	s5 =	sadd.s32 s21, s3  }
0x9d: {  	[timem:s7], [sflag:s22] =	dma.local [hbm:s5], s20  }
0x9e: {  	_ =	swait.ge [sflag:s22], s20  }
0x9f: {  	s4 =	ssub.s32 $0x0, s20;
	[sflag:s22] =	ssyncset.done $0x0  }
0xa0: {  	[sflag:s22] =	ssyncadd.s32 s4;
	_ =	sdelay $0x1  }
0xa1: {  	s23 =	simm.s32 $0x1B8B  }
0xa2: {  	_ =	swait.ge [sflag:s23], $0x1  }
0xa3: {  	[sflag:s23] =	ssyncset.done $0x0  }
0xa4: {  	s25 =	simm.s32 $0x1B8E;
	s24 =	sld [smem:$0x3FFE];
	[sflag:s23] =	ssyncadd.s32 $0xFFFFFFFF  }
0xa5: {  	s26 =	simm.s32 $execute0_lowered;
	[smem:$0x3FD2] =	sst s25  }
0xa6: {  	s5 =	sshll.u32 s26, $0x1;
	_ =	strace $0x80000046;
	[dreg:$0x1] =	wrdreg $0xFFFFFFFF  }
0xa7: {  	s28 =	simm.s32 $_size_execute0_lowered;
	s3 =	sadd.s32 s3, s5;
	[dreg:$0x0] =	wrdreg $0x0  }
0xa8: {  	s5 =	sshll.u32 s28, $0x1;
	[dreg:$0x2] =	wrdreg s3  }
0xa9: {  	[dreg:$0x3] =	wrdreg s5  }
0xaa: {  	[dreg:$0x4] =	wrdreg $0xC0  }
0xab: {  	_ =	task [dreg:s7], $0x5FFFF  }
0xac: {  	[dreg:$0x1] =	wrdreg $0xFFFFFFFF  }
0xad: {  	[dreg:$0x0] =	wrdreg $0x60  }
0xae: {  	[dreg:$0x2] =	wrdreg s24  }
0xaf: {  	[dreg:$0x3] =	wrdreg s2  }
0xb0: {  	[dreg:$0x4] =	wrdreg $0x9  }
0xb1: {  	_ =	task.clear_ibuf [dreg:s7], $0x5FFFF;
	_ =	strace $0x90000046  }
0xb2: {  	s29 =	simm.s32 $0x9;
	_ =	strace $0x80000048  }
0xb3: {  	_ =	swait.ge [sflag:s29], $0x1  }
0xb4: {  	[sflag:s29] =	ssyncadd.s32 $0xFFFFFFFF  }
0xb5: {  	_ =	strace $0x90000048  }
0xb6: {  	_ =	sfence  }
0xb7: {  	s30 =	sld [smem:$0x0];
	_ =	sdelay $0x2  }
0xb8: {  	s31 =	sshll.u32 s1, $0xD;
	s1 =	sshrl.u32 s1, $0x2  }
0xb9: {  	s3 =	sand.u32 $0x4000, s31;
	s1 =	sadd.s32 s1, s30  }
0xba: {  	s0 =	sor.u32 s3, s0;
	s1 =	sshll.u32 s1, $0x11  }
0xbb: {  	s0 =	sor.u32 s1, s0  }
0xbc: {  	s0 =	sadd.s32 $0x8F2B, s0  }
0xbd: {  	[sflag:s0] =	ssyncadd.remote.s32 $0x1  }
0xbe: {  	_ =	sfence.sel $0xFFFF  }
0xbf: {  	[dreg:$0x0] =	wrdreg $0xFFFFFFFF;
	(pc) =	sbr.abs _section_cstart, $3  }
0xc0: {  	[dreg:$0x1] =	wrdreg $0xFFFFFFFF  }
0xc1: {  	_ =	task.clear_ibuf [dreg:s7], $0x2FFFF;
	_ =	strace $0x9FFFFFFF  }
0xc2: {  	(tm) =	ssettm $0x7FFFFFFF  }
0xc3: {  	_ =	shalt  }
tec
execute0_lowered:
.L_overlay_start_1:
0x0: {  	(tag) =	ssettag $0x1  }
0x1: {  	s8 =	rddreg [dreg:$0x0]  }
0x2: {  	s2 =	rddreg [dreg:$0x1]  }
0x3: {  	s0 =	rddreg [dreg:$0x2];
	_ =	strace $0x80000047;
	v0 =	vimm.f32 $2.097152000e+06  }
0x4: {  	(erf) = vrcp.f32 v0  }
0x5: {  	s1 =	srdreg.scid  }
0x6: {  	s10 =	sand.u32 $0x1, s1;
	s1 =	stileid.u32  }
0x7: {  	s3 =	sshll.u32 s1, $0x1;
	s4 =	ssub.s32 $0x0, s10  }
0x8: {  	p0 =	sne.s32 s3, s4  }
.Ltmp0:
0x9: {  	_ = 	snop;
	(pc) =	sbr.rel @p0 .LBB2_4-.Ltmp0, $2  }
0xa: {  	_ =	sdelay $0x2  }
0xb: {  	v0 =	vpop (erf)  }
0xc: {  	s5 =	sadd.s32 $0xE00, s8;
	s4 =	simm.s32 $0x0;
	s3 =	simm.s32 $0x1  }
0xd: {  	[tilespmem:s4], [sflag:$0x1] =	stream.linear.gather [hbm4b:s5+s4], $0x1000, $0x38;
	[tilespmem:$0x3080] =	vst v63  }
0xe: {  	_ =	swait.ge [sflag:s3], $0x1000  }
0xf: {  	[sflag:s3] =	ssyncset.done $0x0  }
0x10: {  	s6 =	sadd.s32 $0x1000, s8;
	s7 =	simm.s32 $0x1000;
	[sflag:s3] =	ssyncadd.s32 $0xFFFFF000  }
0x11: {  	[tilespmem:s7], [sflag:$0x1] =	stream.linear.gather [hbm4b:s6+s4], $0x1000, $0x38;
	[tilespmem:$0x3080] =	vst v63  }
0x12: {  	_ =	swait.ge [sflag:s3], $0x1000  }
0x13: {  	[sflag:s3] =	ssyncset.done $0x0  }
0x14: {  	s8 =	sadd.s32 $0x1200, s8;
	s9 =	simm.s32 $0x2000;
	[sflag:s3] =	ssyncadd.s32 $0xFFFFF000  }
0x15: {  	[tilespmem:s9], [sflag:$0x1] =	stream.linear.gather [hbm4b:s8+s4], $0x1000, $0x38;
	[tilespmem:$0x3080] =	vst v63  }
0x16: {  	_ =	swait.ge [sflag:s3], $0x1000  }
0x17: {  	[sflag:s3] =	ssyncset.done $0x0  }
0x18: {  	[sflag:s3] =	ssyncadd.s32 $0xFFFFF000  }
0x19: {  	v1 =	vld [tilespmem:$0x1100]  }
0x1a: {  	v2 =	vld [tilespmem:$0x1080]  }
0x1b: {  	v3 =	vld [tilespmem:$0x280]  }
0x1c: {  	v4 =	vld [tilespmem:$0x1000]  }
0x1d: {  	v5 =	vld [tilespmem:$0x200]  }
0x1e: {  	v6 =	vld [tilespmem:$0x180]  }
0x1f: {  	v7 =	vld [tilespmem:$0x100]  }
0x20: {  	v8 =	vld [tilespmem:$0x0]  }
0x21: {  	v9 =	vld [tilespmem:$0x80]  }
0x22: {  	v10 =	vld [tilespmem:$0x300]  }
0x23: {  	v11 =	vld [tilespmem:$0x1200]  }
0x24: {  	v12 =	vld [tilespmem:$0x380];
	vm0 =	vgt.f32 v5, $0.0e+00;
	vm1 =	vgt.f32 v4, $0.0e+00  }
0x25: {  	v14 =	vld [tilespmem:$0x480];
	vm2 =	vgt.f32 v6, $0.0e+00;
	vm3 =	vgt.f32 v8, $0.0e+00;
	v5 =	vnsel vm0, $0x3F800000, v5  }
0x26: {  	vm15 =	vgt.f32 v7, $0.0e+00;
	v8 =	vnsel vm3, $0x3F800000, v8;
	(erf) = vrcp.f32 v5;
	v5 =	vld [tilespmem:$0x400]  }
0x27: {  	v13 =	vld [tilespmem:$0x1180];
	vm8 =	vgt.f32 v3, $0.0e+00;
	vm9 =	vgt.f32 v9, $0.0e+00;
	(erf) = vrcp.f32 v8  }
0x28: {  	v28 =	vld [tilespmem:$0x1300];
	vm4 =	vgt.f32 v2, $0.0e+00;
	vm10 =	vgt.f32 v1, $0.0e+00;
	v9 =	vnsel vm9, $0x3F800000, v9  }
0x29: {  	v27 =	vld [tilespmem:$0x2000];
	vm11 =	vgt.f32 v10, $0.0e+00;
	v7 =	vnsel vm15, $0x3F800000, v7;
	(erf) = vrcp.f32 v9  }
0x2a: {  	v15 =	vld [tilespmem:$0x2080];
	vm13 =	vgt.f32 v14, $0.0e+00;
	v6 =	vnsel vm2, $0x3F800000, v6;
	(erf) = vrcp.f32 v7  }
0x2b: {  	v16 =	vld [tilespmem:$0x1400];
	v7 =	vnsel vm11, $0x3F800000, v10;
	(erf) = vrcp.f32 v6;
	vm12 =	vgt.f32 v5, $0.0e+00  }
0x2c: {  	v32 =	vld [tilespmem:$0x1480];
	vm14 =	vgt.f32 v12, $0.0e+00;
	(erf) = vrcp.f32 v7;
	v5 =	vnsel vm12, $0x3F800000, v5  }
0x2d: {  	v18 =	vld [tilespmem:$0x1500];
	vm5 =	vgt.f32 v28, $0.0e+00;
	v14 =	vnsel vm13, $0x3F800000, v14;
	(erf) = vrcp.f32 v5  }
0x2e: {  	v29 =	vld [tilespmem:$0x2100];
	v4 =	vnsel vm1, $0x3F800000, v4;
	v5 =	vnsel vm14, $0x3F800000, v12;
	(erf) = vrcp.f32 v14  }
0x2f: {  	v3 =	vnsel vm8, $0x3F800000, v3;
	v2 =	vnsel vm4, $0x3F800000, v2;
	v7 =	vld [tilespmem:$0x500];
	v31 =	vpop (erf);
	(erf) = vrcp.f32 v5  }
0x30: {  	v48 =	vld [tilespmem:$0x800];
	v1 =	vnsel vm10, $0x3F800000, v1;
	vm15 =	vgt.f32 v11, $0.0e+00;
	v33 =	vpop (erf);
	(erf) = vrcp.f32 v3  }
0x31: {  	vm4 =	vgt.f32 v13, $0.0e+00;
	vm8 =	vgt.f32 v16, $0.0e+00;
	v6 =	vld [tilespmem:$0x1280];
	v4 =	vmul.f32 v33, v4  }
0x32: {  	v30 =	vld [tilespmem:$0x2180];
	vm9 =	vgt.f32 v32, $0.0e+00;
	vm13 =	vgt.f32 v18, $0.0e+00;
	v11 =	vnsel vm15, $0x3F800000, v11;
	v17 =	vpop (erf)  }
0x33: {  	v40 =	vnsel vm8, $0x3F800000, v16;
	v3 =	vld [tilespmem:$0x580];
	v2 =	vmul.f32 v17, v2;
	v35 =	vpop (erf);
	v4 =	vmul.f32 v4, v27  }
0x34: {  	v34 =	vld [tilespmem:$0x1380];
	v5 =	vnsel vm4, $0x3F800000, v13;
	vm7 =	vgt.f32 v7, $0.0e+00;
	v1 =	vmul.f32 v35, v1;
	v37 =	vpop (erf)  }
0x35: {  	v36 =	vld [tilespmem:$0x600];
	v2 =	vmul.f32 v2, v15;
	v5 =	vmul.f32 v37, v5;
	v38 =	vpop (erf);
	v4 =	vadd.f32 $0.0e+00, v4  }
0x36: {  	v39 =	vld [tilespmem:$0x2200];
	vm8 =	vgt.f32 v48, $0.0e+00;
	vm6 =	vgt.f32 v6, $0.0e+00;
	v7 =	vnsel vm7, $0x3F800000, v7;
	v41 =	vpop (erf)  }
0x37: {  	(erf) = vrcp.f32 v7;
	v7 =	vld [tilespmem:$0x680];
	v1 =	vmul.f32 v1, v29;
	v2 =	vadd.f32 v2, v4;
	v42 =	vpop (erf)  }
0x38: {  	v19 =	vld [tilespmem:$0x2280];
	v11 =	vmul.f32 v31, v11;
	v6 =	vnsel vm6, $0x3F800000, v6;
	vm10 =	vgt.f32 v3, $0.0e+00;
	v43 =	vpop (erf)  }
0x39: {  	v20 =	vld [tilespmem:$0x1580];
	v3 =	vnsel vm10, $0x3F800000, v3;
	v1 =	vadd.f32 v1, v2;
	v2 =	vmul.f32 v5, v30;
	v5 =	vpop (erf)  }
0x3a: {  	v9 =	vnsel vm5, $0x3F800000, v28;
	(erf) = vrcp.f32 v3;
	v3 =	vmul.f32 v5, v6;
	v5 =	vld [tilespmem:$0x2300]  }
0x3b: {  	v44 =	vld [tilespmem:$0x2380];
	vm11 =	vgt.f32 v34, $0.0e+00;
	v1 =	vadd.f32 v2, v1;
	v2 =	vmul.f32 v11, v39  }
0x3c: {  	v45 =	vld [tilespmem:$0x2400];
	vm14 =	vgt.f32 v36, $0.0e+00;
	v8 =	vmul.f32 v38, v9;
	vm12 =	vgt.f32 v7, $0.0e+00  }
0x3d: {  	v7 =	vnsel vm12, $0x3F800000, v7;
	v6 =	vld [tilespmem:$0x700];
	v1 =	vadd.f32 v2, v1;
	v2 =	vmul.f32 v3, v19  }
0x3e: {  	v49 =	vld [tilespmem:$0x1680];
	v47 =	vnsel vm14, $0x3F800000, v36;
	(erf) = vrcp.f32 v7;
	v7 =	vnsel vm11, $0x3F800000, v34  }
0x3f: {  	v50 =	vld [tilespmem:$0x2480];
	v7 =	vmul.f32 v43, v7;
	v1 =	vadd.f32 v2, v1;
	v2 =	vmul.f32 v8, v5  }
0x40: {  	v46 =	vnsel vm13, $0x3F800000, v18;
	v55 =	vnsel vm8, $0x3F800000, v48;
	v4 =	vld [tilespmem:$0x780];
	(erf) = vrcp.f32 v47  }
0x41: {  	v13 =	vnsel vm9, $0x3F800000, v32;
	v7 =	vmul.f32 v7, v44;
	v1 =	vadd.f32 v2, v1  }
0x42: {  	vm4 =	vgt.f32 v20, $0.0e+00;
	v9 =	vmul.f32 v41, v40;
	v3 =	vld [tilespmem:$0x880];
	vm5 =	vgt.f32 v6, $0.0e+00  }
0x43: {  	v2 =	vnsel vm5, $0x3F800000, v6;
	v6 =	vld [tilespmem:$0x1600];
	v1 =	vadd.f32 v7, v1;
	v7 =	vmul.f32 v42, v13  }
0x44: {  	v51 =	vnsel vm4, $0x3F800000, v20;
	vm7 =	vgt.f32 v49, $0.0e+00;
	v5 =	vpop (erf);
	(erf) = vrcp.f32 v2;
	v2 =	vld [tilespmem:$0x2500]  }
0x45: {  	v53 =	vld [tilespmem:$0x900];
	v9 =	vmul.f32 v9, v45;
	vm15 =	vgt.f32 v4, $0.0e+00;
	v52 =	vpop (erf);
	v7 =	vmul.f32 v7, v50  }
0x46: {  	v54 =	vld [tilespmem:$0x2580];
	v4 =	vnsel vm15, $0x3F800000, v4;
	v5 =	vmul.f32 v5, v46;
	v11 =	vmul.f32 v52, v51  }
0x47: {  	v56 =	vld [tilespmem:$0x2600];
	vm6 =	vgt.f32 v3, $0.0e+00;
	(erf) = vrcp.f32 v4;
	v1 =	vadd.f32 v9, v1  }
0x48: {  	v58 =	vpop (erf);
	v4 =	vld [tilespmem:$0x1700];
	v3 =	vnsel vm6, $0x3F800000, v3;
	(erf) = vrcp.f32 v55;
	vm9 =	vgt.f32 v6, $0.0e+00  }
0x49: {  	v57 =	vld [tilespmem:$0x1780];
	v6 =	vnsel vm9, $0x3F800000, v6;
	v1 =	vadd.f32 v7, v1;
	v2 =	vmul.f32 v5, v2;
	v7 =	vpop (erf)  }
0x4a: {  	vm10 =	vgt.f32 v53, $0.0e+00;
	(erf) = vrcp.f32 v3;
	v5 =	vld [tilespmem:$0x2680];
	v6 =	vmul.f32 v7, v6  }
0x4b: {  	v3 =	vnsel vm7, $0x3F800000, v49;
	v1 =	vadd.f32 v2, v1;
	v2 =	vmul.f32 v11, v54  }
0x4c: {  	v60 =	vnsel vm10, $0x3F800000, v53;
	v3 =	vmul.f32 v58, v3;
	v7 =	vld [tilespmem:$0x2700]  }
0x4d: {  	v59 =	vld [tilespmem:$0x1800];
	vm11 =	vgt.f32 v4, $0.0e+00;
	v1 =	vadd.f32 v2, v1;
	v2 =	vmul.f32 v6, v56  }
0x4e: {  	v62 =	vld [tilespmem:$0x2780];
	vm12 =	vgt.f32 v57, $0.0e+00;
	(erf) = vrcp.f32 v60;
	v4 =	vnsel vm11, $0x3F800000, v4;
	v6 =	vpop (erf)  }
0x4f: {  	s10 =	ssub.s32 $0x2, s10;
	v61 =	vld [tilespmem:$0x1880];
	v1 =	vadd.f32 v2, v1;
	v2 =	vmul.f32 v3, v5;
	v4 =	vmul.f32 v6, v4  }
0x50: {  	s11 =	sshrl.u32 s10, $0x1;
	v63 =	vld [tilespmem:$0x1900];
	v3 =	vnsel vm12, $0x3F800000, v57;
	v6 =	vpop (erf)  }
0x51: {  	s10 =	ssub.s32 s10, s11;
	v5 =	vld [tilespmem:$0x2800];
	v3 =	vmul.f32 v6, v3;
	v1 =	vadd.f32 v2, v1;
	v2 =	vmul.f32 v4, v7  }
0x52: {  	s11 =	smax.u32 s10, $0x1;
	vm13 =	vgt.f32 v59, $0.0e+00  }
0x53: {  	p0 =	sne.s32 s11, $0x1;
	v6 =	vpop (erf);
	v4 =	vnsel vm13, $0x3F800000, v59;
	v7 =	vld [tilespmem:$0x2880];
	v3 =	vmul.f32 v3, v62;
	v1 =	vadd.f32 v2, v1  }
.Ltmp1:
0x54: {  	vm14 =	vgt.f32 v61, $0.0e+00;
	v4 =	vmul.f32 v6, v4;
	(pc) =	sbr.rel @!p0 .LBB2_3-.Ltmp1, $4  }
0x55: {  	v6 =	vpop (erf);
	v2 =	vnsel vm14, $0x3F800000, v61;
	v3 =	vadd.f32 v3, v1;
	v1 =	vld [tilespmem:$0x2900]  }
0x56: {  	vm15 =	vgt.f32 v63, $0.0e+00;
	v6 =	vmul.f32 v6, v2;
	v4 =	vmul.f32 v4, v5  }
0x57: {  	v2 =	vnsel vm15, $0x3F800000, v63;
	v5 =	vpop (erf)  }
0x58: {  	s10 =	simm.s32 $0x3000;
	s11 =	sadd.s32 $0xFFFFFFFF, s11;
	v2 =	vmul.f32 v5, v2;
	v3 =	vadd.f32 v4, v3;
	v4 =	vmul.f32 v6, v7  }
.LBB2_2:
0x59: {  	p0 =	sne.s32 s11, $0x1;
	s11 =	sadd.s32 $0xFFFFFFFF, s11  }
0x5a: {  	v3 =	vadd.f32 v4, v3;
	v1 =	vmul.f32 v2, v1;
	_ =	sdelay $0x1  }
0x5b: {  	v1 =	vadd.f32 v1, v3;
	_ =	sdelay $0x1  }
0x5c: {  	v1 =	vmul.f32 v1, v0;
	_ =	sdelay $0x1  }
0x5d: {  	[tilespmem:$0x3000] =	vst v1  }
0x5e: {  	[hbm4b:s2+s4] =	stream.linear.scatter [tilespmem:s10], [sflag:$0x1], $0x80, $0x38;
	[tilespmem:$0x3080] =	vst v63  }
0x5f: {  	_ =	swait.ge [sflag:s3], $0x80  }
0x60: {  	[sflag:s3] =	ssyncset.done $0x0  }
0x61: {  	[sflag:s3] =	ssyncadd.s32 $0xFFFFFF80;
	_ =	sdelay $0x1  }
0x62: {  	[tilespmem:s4], [sflag:$0x1] =	stream.linear.gather [hbm4b:s5+s4], $0x1000, $0x38;
	[tilespmem:$0x3080] =	vst v63  }
0x63: {  	_ =	swait.ge [sflag:s3], $0x1000  }
0x64: {  	[sflag:s3] =	ssyncset.done $0x0  }
0x65: {  	[sflag:s3] =	ssyncadd.s32 $0xFFFFF000  }
0x66: {  	[tilespmem:s7], [sflag:$0x1] =	stream.linear.gather [hbm4b:s6+s4], $0x1000, $0x38;
	[tilespmem:$0x3080] =	vst v63  }
0x67: {  	_ =	swait.ge [sflag:s3], $0x1000  }
0x68: {  	[sflag:s3] =	ssyncset.done $0x0  }
0x69: {  	[sflag:s3] =	ssyncadd.s32 $0xFFFFF000  }
0x6a: {  	[tilespmem:s9], [sflag:$0x1] =	stream.linear.gather [hbm4b:s8+s4], $0x1000, $0x38;
	[tilespmem:$0x3080] =	vst v63  }
0x6b: {  	_ =	swait.ge [sflag:s3], $0x1000  }
0x6c: {  	[sflag:s3] =	ssyncset.done $0x0  }
0x6d: {  	[sflag:s3] =	ssyncadd.s32 $0xFFFFF000  }
0x6e: {  	v1 =	vld [tilespmem:$0x1100]  }
0x6f: {  	v2 =	vld [tilespmem:$0x1080]  }
0x70: {  	v3 =	vld [tilespmem:$0x280]  }
0x71: {  	v4 =	vld [tilespmem:$0x1000]  }
0x72: {  	v5 =	vld [tilespmem:$0x200]  }
0x73: {  	v6 =	vld [tilespmem:$0x180]  }
0x74: {  	v7 =	vld [tilespmem:$0x100]  }
0x75: {  	v8 =	vld [tilespmem:$0x80]  }
0x76: {  	v9 =	vld [tilespmem:$0x0]  }
0x77: {  	vm1 =	vgt.f32 v5, $0.0e+00;
	v10 =	vld [tilespmem:$0x300]  }
0x78: {  	vm2 =	vgt.f32 v4, $0.0e+00;
	vm0 =	vgt.f32 v6, $0.0e+00;
	v11 =	vld [tilespmem:$0x1200];
	v5 =	vnsel vm1, $0x3F800000, v5  }
0x79: {  	v4 =	vnsel vm2, $0x3F800000, v4;
	vm2 =	vgt.f32 v3, $0.0e+00;
	vm1 =	vgt.f32 v7, $0.0e+00;
	v12 =	vld [tilespmem:$0x380]  }
0x7a: {  	vm3 =	vgt.f32 v2, $0.0e+00;
	v3 =	vnsel vm2, $0x3F800000, v3;
	v13 =	vld [tilespmem:$0x1180];
	(erf) = vrcp.f32 v5  }
0x7b: {  	v2 =	vnsel vm3, $0x3F800000, v2;
	vm3 =	vgt.f32 v1, $0.0e+00;
	vm2 =	vgt.f32 v9, $0.0e+00;
	v5 =	vld [tilespmem:$0x400]  }
0x7c: {  	v1 =	vnsel vm3, $0x3F800000, v1;
	vm4 =	vgt.f32 v8, $0.0e+00;
	v14 =	vld [tilespmem:$0x2000];
	vm3 =	vgt.f32 v10, $0.0e+00  }
0x7d: {  	v9 =	vnsel vm2, $0x3F800000, v9;
	vm2 =	vgt.f32 v11, $0.0e+00;
	v10 =	vnsel vm3, $0x3F800000, v10;
	v15 =	vld [tilespmem:$0x480]  }
0x7e: {  	v16 =	vld [tilespmem:$0x2080];
	v11 =	vnsel vm2, $0x3F800000, v11;
	vm2 =	vgt.f32 v12, $0.0e+00;
	(erf) = vrcp.f32 v9  }
0x7f: {  	v8 =	vnsel vm4, $0x3F800000, v8;
	vm3 =	vgt.f32 v13, $0.0e+00;
	v9 =	vld [tilespmem:$0x1300];
	v12 =	vnsel vm2, $0x3F800000, v12  }
0x80: {  	v7 =	vnsel vm1, $0x3F800000, v7;
	v17 =	vld [tilespmem:$0x2100];
	vm1 =	vgt.f32 v5, $0.0e+00;
	(erf) = vrcp.f32 v8  }
0x81: {  	v6 =	vnsel vm0, $0x3F800000, v6;
	v8 =	vnsel vm3, $0x3F800000, v13;
	v13 =	vld [tilespmem:$0x1280];
	(erf) = vrcp.f32 v7  }
0x82: {  	v5 =	vnsel vm1, $0x3F800000, v5;
	vm0 =	vgt.f32 v15, $0.0e+00;
	v7 =	vld [tilespmem:$0x500];
	(erf) = vrcp.f32 v6  }
0x83: {  	v6 =	vld [tilespmem:$0x2180];
	v15 =	vnsel vm0, $0x3F800000, v15;
	v18 =	vpop (erf);
	(erf) = vrcp.f32 v10  }
0x84: {  	v10 =	vmul.f32 v18, v11;
	vm0 =	vgt.f32 v9, $0.0e+00;
	v11 =	vld [tilespmem:$0x1400];
	(erf) = vrcp.f32 v5  }
0x85: {  	v5 =	vnsel vm0, $0x3F800000, v9;
	v9 =	vld [tilespmem:$0x1480];
	(erf) = vrcp.f32 v15  }
0x86: {  	vm0 =	vgt.f32 v13, $0.0e+00;
	v15 =	vld [tilespmem:$0x580];
	(erf) = vrcp.f32 v12  }
0x87: {  	v12 =	vnsel vm0, $0x3F800000, v13;
	v13 =	vld [tilespmem:$0x1380];
	v18 =	vpop (erf);
	(erf) = vrcp.f32 v3  }
0x88: {  	v3 =	vmul.f32 v18, v4;
	v4 =	vld [tilespmem:$0x1500]  }
0x89: {  	vm0 =	vgt.f32 v7, $0.0e+00;
	v18 =	vld [tilespmem:$0x600];
	v19 =	vpop (erf)  }
0x8a: {  	v7 =	vnsel vm0, $0x3F800000, v7;
	v3 =	vmul.f32 v3, v14;
	v2 =	vmul.f32 v19, v2;
	v14 =	vld [tilespmem:$0x680];
	v19 =	vpop (erf)  }
0x8b: {  	vm0 =	vgt.f32 v11, $0.0e+00;
	v1 =	vmul.f32 v19, v1;
	v19 =	vld [tilespmem:$0x1580];
	v20 =	vpop (erf);
	(erf) = vrcp.f32 v7  }
0x8c: {  	v3 =	vadd.f32 $0.0e+00, v3;
	v2 =	vmul.f32 v2, v16;
	v7 =	vmul.f32 v20, v8;
	v8 =	vld [tilespmem:$0x700];
	v16 =	vpop (erf)  }
0x8d: {  	v11 =	vnsel vm0, $0x3F800000, v11;
	vm0 =	vgt.f32 v9, $0.0e+00;
	v20 =	vld [tilespmem:$0x2200];
	v5 =	vmul.f32 v16, v5;
	v16 =	vpop (erf)  }
0x8e: {  	vm1 =	vgt.f32 v15, $0.0e+00;
	v1 =	vmul.f32 v1, v17;
	v2 =	vadd.f32 v2, v3;
	v3 =	vld [tilespmem:$0x780];
	v17 =	vpop (erf)  }
0x8f: {  	v9 =	vnsel vm0, $0x3F800000, v9;
	v15 =	vnsel vm1, $0x3F800000, v15;
	v11 =	vmul.f32 v16, v11;
	v21 =	vld [tilespmem:$0x2280];
	v16 =	vpop (erf)  }
0x90: {  	v1 =	vadd.f32 v1, v2;
	v2 =	vmul.f32 v7, v6;
	v6 =	vld [tilespmem:$0x800];
	v7 =	vpop (erf);
	(erf) = vrcp.f32 v15  }
0x91: {  	vm1 =	vgt.f32 v13, $0.0e+00;
	vm0 =	vgt.f32 v14, $0.0e+00;
	v7 =	vmul.f32 v7, v12;
	v12 =	vld [tilespmem:$0x2300]  }
0x92: {  	v1 =	vadd.f32 v2, v1;
	v2 =	vmul.f32 v10, v20;
	v10 =	vld [tilespmem:$0x1600];
	v20 =	vnsel vm0, $0x3F800000, v14  }
0x93: {  	vm2 =	vgt.f32 v4, $0.0e+00;
	vm3 =	vgt.f32 v18, $0.0e+00;
	v15 =	vld [tilespmem:$0x2380];
	(erf) = vrcp.f32 v20  }
0x94: {  	vm0 =	vgt.f32 v3, $0.0e+00;
	v1 =	vadd.f32 v2, v1;
	v2 =	vmul.f32 v7, v21;
	v7 =	vld [tilespmem:$0x880];
	v14 =	vpop (erf)  }
0x95: {  	v13 =	vnsel vm1, $0x3F800000, v13;
	v4 =	vnsel vm2, $0x3F800000, v4;
	v18 =	vnsel vm3, $0x3F800000, v18;
	v20 =	vld [tilespmem:$0x2400]  }
0x96: {  	vm1 =	vgt.f32 v19, $0.0e+00;
	v1 =	vadd.f32 v2, v1;
	v2 =	vmul.f32 v5, v12;
	v5 =	vld [tilespmem:$0x1680]  }
0x97: {  	vm2 =	vgt.f32 v8, $0.0e+00;
	v4 =	vmul.f32 v14, v4;
	v12 =	vmul.f32 v16, v13;
	v13 =	vld [tilespmem:$0x2480]  }
0x98: {  	v1 =	vadd.f32 v2, v1;
	v2 =	vnsel vm2, $0x3F800000, v8;
	v8 =	vld [tilespmem:$0x900];
	(erf) = vrcp.f32 v18  }
0x99: {  	v12 =	vmul.f32 v12, v15;
	v15 =	vnsel vm1, $0x3F800000, v19;
	v14 =	vld [tilespmem:$0x2500];
	v16 =	vpop (erf);
	(erf) = vrcp.f32 v2  }
0x9a: {  	vm1 =	vgt.f32 v7, $0.0e+00;
	v2 =	vmul.f32 v11, v20;
	v11 =	vmul.f32 v16, v15;
	v15 =	vld [tilespmem:$0x1700]  }
0x9b: {  	v3 =	vnsel vm0, $0x3F800000, v3;
	vm0 =	vgt.f32 v6, $0.0e+00;
	v16 =	vld [tilespmem:$0x2580];
	vm2 =	vgt.f32 v5, $0.0e+00  }
0x9c: {  	v9 =	vmul.f32 v17, v9;
	v1 =	vadd.f32 v12, v1;
	v12 =	vld [tilespmem:$0x1780];
	v17 =	vpop (erf);
	(erf) = vrcp.f32 v3  }
0x9d: {  	v6 =	vnsel vm0, $0x3F800000, v6;
	vm3 =	vgt.f32 v10, $0.0e+00;
	v7 =	vnsel vm1, $0x3F800000, v7;
	v3 =	vld [tilespmem:$0x1800]  }
0x9e: {  	v1 =	vadd.f32 v2, v1;
	v2 =	vmul.f32 v9, v13;
	v9 =	vld [tilespmem:$0x2680];
	(erf) = vrcp.f32 v6  }
0x9f: {  	v10 =	vnsel vm3, $0x3F800000, v10;
	v6 =	vld [tilespmem:$0x2600];
	vm0 =	vgt.f32 v15, $0.0e+00;
	(erf) = vrcp.f32 v7  }
0xa0: {  	vm1 =	vgt.f32 v8, $0.0e+00;
	v1 =	vadd.f32 v2, v1;
	v2 =	vmul.f32 v4, v14;
	v4 =	vld [tilespmem:$0x1880]  }
0xa1: {  	v5 =	vnsel vm2, $0x3F800000, v5;
	v8 =	vnsel vm1, $0x3F800000, v8;
	v13 =	vnsel vm0, $0x3F800000, v15;
	v7 =	vld [tilespmem:$0x2700];
	v14 =	vpop (erf)  }
0xa2: {  	v1 =	vadd.f32 v2, v1;
	v2 =	vmul.f32 v11, v16;
	v10 =	vmul.f32 v14, v10;
	v11 =	vld [tilespmem:$0x1900];
	v14 =	vpop (erf)  }
0xa3: {  	v5 =	vmul.f32 v17, v5;
	vm0 =	vgt.f32 v12, $0.0e+00;
	v15 =	vld [tilespmem:$0x2780];
	(erf) = vrcp.f32 v8  }
0xa4: {  	v1 =	vadd.f32 v2, v1;
	v2 =	vmul.f32 v10, v6;
	v6 =	vmul.f32 v14, v13  }
0xa5: {  	v13 =	vnsel vm0, $0x3F800000, v12;
	vm0 =	vgt.f32 v3, $0.0e+00;
	v10 =	vld [tilespmem:$0x2800];
	vm1 =	vgt.f32 v4, $0.0e+00;
	v12 =	vpop (erf)  }
0xa6: {  	v1 =	vadd.f32 v2, v1;
	v2 =	vmul.f32 v5, v9;
	v5 =	vmul.f32 v12, v13  }
0xa7: {  	v3 =	vnsel vm0, $0x3F800000, v3;
	v4 =	vnsel vm1, $0x3F800000, v4;
	vm0 =	vgt.f32 v11, $0.0e+00;
	v8 =	vpop (erf)  }
0xa8: {  	v1 =	vadd.f32 v2, v1;
	v2 =	vmul.f32 v6, v7;
	v5 =	vmul.f32 v5, v15;
	v6 =	vpop (erf)  }
0xa9: {  	v3 =	vmul.f32 v8, v3;
	v7 =	vld [tilespmem:$0x2880];
	v4 =	vmul.f32 v6, v4;
	v6 =	vnsel vm0, $0x3F800000, v11  }
.Ltmp2:
0xaa: {  	v8 =	vadd.f32 v2, v1;
	(pc) =	sbr.rel @p0 .LBB2_2-.Ltmp2, $4  }
0xab: {  	v3 =	vmul.f32 v3, v10;
	v1 =	vld [tilespmem:$0x2900]  }
0xac: {  	v5 =	vadd.f32 v5, v8;
	v2 =	vpop (erf)  }
0xad: {  	v2 =	vmul.f32 v2, v6  }
0xae: {  	v3 =	vadd.f32 v3, v5;
	v4 =	vmul.f32 v4, v7  }
.LBB2_3:
0xaf: {  	_ = 	snop  }
0xb0: {  	v3 =	vadd.f32 v4, v3;
	v1 =	vmul.f32 v2, v1;
	_ =	sdelay $0x1  }
0xb1: {  	v1 =	vadd.f32 v1, v3;
	_ =	sdelay $0x1  }
0xb2: {  	v0 =	vmul.f32 v1, v0;
	_ =	sdelay $0x1  }
0xb3: {  	[tilespmem:$0x3000] =	vst v0  }
0xb4: {  	[hbm4b:s2+s4] =	stream.linear.scatter [tilespmem:s10], [sflag:$0x1], $0x80, $0x38;
	[tilespmem:$0x3080] =	vst v63  }
0xb5: {  	_ =	swait.ge [sflag:s3], $0x80  }
0xb6: {  	[sflag:s3] =	ssyncset.done $0x0  }
0xb7: {  	[sflag:s3] =	ssyncadd.s32 $0xFFFFFF80  }
.LBB2_4:
0xb8: {  	_ =	sfence.sel $0x180000  }
0xb9: {  	[bflag:$0x0] =	sbarrier.arrive $0xFFFF  }
0xba: {  	p0 =	sne.s32 s1, $0x0;
	_ =	strace $0x90000047  }
0xbb: {  	s0 =	sadd.s32 @!p0 $0x100000, s0;
	[bflag:$0x2] =	sbarrier.arrive $0xFFFF  }
0xbc: {  	[sflag:s0] =	ssyncadd.tile.s32 @!p0 $0x1;
	_ =	shalt  }
.Lfunc_end2:
_tile_overlayer_lowered:
.L_overlay_start_2:
0xbd: {  	(tag) =	ssettag $0x2  }
0xbe: {  	s0 =	rddreg [dreg:$0x0];
	s2 =	stileid.u32  }
0xbf: {  	s1 =	rddreg [dreg:$0x1];
	p0 =	sne.s32 s2, $0x0  }
0xc0: {  	s3 =	rddreg [dreg:$0x2];
	[bflag:$0x3] =	sbarrier.arrive $0xFFFF;
	s2 =	simm.s32 @!p0 $0x1C01  }
0xc1: {  	[timem:s3], [sflag:s2] =	dma.local @!p0 [hbm:s0], s1  }
0xc2: {  	s0 =	simm.s32 @!p0 $0x1  }
0xc3: {  	_ =	swait.ge @!p0 [sflag:s0], s1  }
0xc4: {  	s1 =	ssub.s32 @!p0 $0x0, s1;
	[sflag:s0] =	ssyncset.done @!p0 $0x0  }
0xc5: {  	[sflag:s0] =	ssyncadd.s32 @!p0 s1  }
0xc6: {  	[bflag:$0x3] =	sbarrier.arrive $0xFFFF  }
0xc7: {  	_ =	shalt  }

</sc_bundles>
